<compile_context>
chip_gen: v7x
topology: tpu7x:2x2x1
jax: 0.10.2.dev20260603
libtpu: 0.0.44.dev20260713+nightly
codegen_flags: <defaults>
</compile_context>

<pallas_src>
import functools

import jax
import jax.numpy as jnp
from jax import lax
from jax.experimental import pallas as pl
from jax.experimental.pallas import tpu as pltpu
from jax.experimental.pallas import tpu_sc as plsc

EMBED = 32
LANES = 128
B = 4096 * 200
NC, NS = 2, 16
NW = NC * NS
B_PER_W = B // NW
CHUNK = 1600
NCHUNK = B_PER_W // CHUNK

_mesh = plsc.VectorSubcoreMesh(core_axis_name="c", subcore_axis_name="s")


@functools.partial(
    pl.kernel,
    mesh=_mesh,
    out_type=jax.ShapeDtypeStruct((B, LANES), jnp.float32),
    scratch_types=[
        pltpu.VMEM((B_PER_W,), jnp.int32),
        pltpu.VMEM((2, CHUNK, EMBED), jnp.float32),
        pltpu.SemaphoreType.DMA,
        pltpu.SemaphoreType.DMA,
        pltpu.SemaphoreType.DMA,
        pltpu.SemaphoreType.DMA,
    ],
    compiler_params=pltpu.CompilerParams(use_tc_tiling_on_sc=False),
)
def _gather_kernel(idx_hbm, table_hbm, out_hbm, idx_v, rows_v,
                   gsem0, gsem1, ssem0, ssem1):
    wid = lax.axis_index("s") * NC + lax.axis_index("c")
    base = wid * B_PER_W
    gsems = (gsem0, gsem1)
    ssems = (ssem0, ssem1)
    pltpu.sync_copy(idx_hbm.at[pl.ds(base, B_PER_W)], idx_v)

    def start_gather(c, buf):
        return pltpu.async_copy(
            table_hbm.at[idx_v.at[pl.ds(c * CHUNK, CHUNK)]],
            rows_v.at[buf], gsems[buf])

    def start_writeout(c, buf):
        return pltpu.async_copy(
            rows_v.at[buf],
            out_hbm.at[pl.ds(base + c * CHUNK, CHUNK), pl.ds(0, EMBED)],
            ssems[buf])

    gathers = [start_gather(0, 0), None]
    writes = [None, None]
    for c in range(NCHUNK):
        cur = c & 1
        nxt = 1 - cur
        if c + 1 < NCHUNK:
            if writes[nxt] is not None:
                writes[nxt].wait()
            gathers[nxt] = start_gather(c + 1, nxt)
        gathers[cur].wait()
        writes[cur] = start_writeout(c, cur)
    for w in writes:
        if w is not None:
            w.wait()


def kernel(sequence, table):
    batch, hist = sequence.shape
    idx = sequence.reshape(-1).astype(jnp.int32)
    out = _gather_kernel(idx, table)
    return out[:, :EMBED].reshape(batch, hist, EMBED)

# --- scband reference (transcript-rebuilt; emitter-appended) ---
"""Pipeline reference for scband-token-embedding-88364657148482 (READ-ONLY COPY).

The authoritative reference and input builder live on the scoring server;
editing this copy changes nothing except your own understanding.
"""

import jax, jax.numpy as jnp
import numpy as np

VOCAB = 1000000
EMBED = 32
BATCH = 4096
HIST = 200

def setup_inputs(seed: int = 0) -> dict:
    key = jax.random.key(seed)
    k_idx, k_tab = jax.random.split(key)
    sequence = jax.random.randint(k_idx, (BATCH, HIST), 0, VOCAB, dtype=jnp.int64 if jax.config.jax_enable_x64 else jnp.int32)
    table = jax.random.normal(k_tab, (VOCAB, EMBED), dtype=jnp.float32) * 0.02
    return {"sequence": sequence, "table": table}

def reference(sequence, table):
    # Faithful translation of nn.Embedding lookup: x = table[sequence]
    x = jnp.take(table, sequence, axis=0)
    return x

if __name__ == "__main__":
    import jax
    _d = setup_inputs()
    print(jax.jit(kernel)(*tuple(_d.values())))

</pallas_src>

<mosaic_0001>
#map = affine_map<(d0, d1) -> (0)>
#map1 = affine_map<(d0, d1) -> (0, 0)>
module attributes {stable_mosaic.version = 14 : i64} {
  func.func @_gather_kernel(%arg0: i32, %arg1: i32, %arg2: memref<819200xi32, #tpu.memory_space<hbm>>, %arg3: memref<1000000x32xf32, #tpu.memory_space<hbm>>, %arg4: memref<819200x128xf32, #tpu.memory_space<hbm>>, %arg5: memref<25600xi32, #tpu.memory_space<vmem>>, %arg6: memref<2x1600x32xf32, #tpu.memory_space<vmem>>, %arg7: memref<!tpu.dma_semaphore, #tpu.memory_space<semaphore_mem>>, %arg8: memref<!tpu.dma_semaphore, #tpu.memory_space<semaphore_mem>>, %arg9: memref<!tpu.dma_semaphore, #tpu.memory_space<semaphore_mem>>, %arg10: memref<!tpu.dma_semaphore, #tpu.memory_space<semaphore_mem>>) attributes {dimension_semantics = [#tpu.dimension_semantics<core_parallel>, #tpu.dimension_semantics<subcore_parallel>], iteration_bounds = array<i64: 2, 16>, scalar_prefetch = 0 : i64, scratch_operands = 6 : i64, tpu.core_type = #tpu.core_type<sc_vector_subcore>, window_params = [{transform_indices = #map}, {transform_indices = #map1}, {transform_indices = #map1}]} {
    %mul3A = arith.constant 2 : i32
    %mul3A_0 = arith.muli %arg1, %mul3A : i32
    %add3A = arith.addi %mul3A_0, %arg0 : i32
    %mul3A_1 = arith.constant 25600 : i32
    %mul3A_2 = arith.muli %add3A, %mul3A_1 : i32
    "tpu.region"() ({
      %run_scoped3A = tpu.sem_alloc : memref<!tpu.dma_semaphore, #tpu.memory_space<semaphore_mem>>
      %dma_start3A_769 = tpu.memref_slice %arg2[%mul3A_2] : memref<819200xi32, #tpu.memory_space<hbm>> -> memref<25600xi32, #tpu.memory_space<hbm>>
      %dma_start3A_770 = tpu.memref_slice %arg2[%mul3A_2] : memref<819200xi32, #tpu.memory_space<hbm>> -> memref<25600xi32, #tpu.memory_space<hbm>>
      tpu.enqueue_dma source(%dma_start3A_770 : memref<25600xi32, #tpu.memory_space<hbm>>) target(%arg5 : memref<25600xi32, #tpu.memory_space<vmem>>) target_semaphore(%run_scoped3A : memref<!tpu.dma_semaphore, #tpu.memory_space<semaphore_mem>>)
      %dma_wait3A_771 = tpu.memref_slice %arg2[%mul3A_2] : memref<819200xi32, #tpu.memory_space<hbm>> -> memref<25600xi32, #tpu.memory_space<hbm>>
      %dma_wait3A_772 = tpu.memref_slice %arg2[%mul3A_2] : memref<819200xi32, #tpu.memory_space<hbm>> -> memref<25600xi32, #tpu.memory_space<hbm>>
      tpu.wait_dma2 semaphore(%run_scoped3A : memref<!tpu.dma_semaphore, #tpu.memory_space<semaphore_mem>>) src(%dma_wait3A_772 : memref<25600xi32, #tpu.memory_space<hbm>>) dst(%arg5 : memref<25600xi32, #tpu.memory_space<vmem>>)
      tpu.yield
    }) : () -> ()
    %dma_start3A = arith.constant 0 : i32
    %dma_start3A_3 = arith.constant 0 : i32
    %dma_start3A_4 = arith.constant 0 : i32
    %dma_start3A_5 = tpu.memref_slice %arg6[%dma_start3A, %dma_start3A_3, %dma_start3A_4] : memref<2x1600x32xf32, #tpu.memory_space<vmem>> -> memref<1x1600x32xf32, #tpu.memory_space<vmem>>
    %dma_start3A_6 = tpu.memref_squeeze %dma_start3A_5 : memref<1x1600x32xf32, #tpu.memory_space<vmem>> -> memref<1600x32xf32, #tpu.memory_space<vmem>>
    %dma_start3A_7 = arith.constant 0 : i32
    %dma_start3A_8 = tpu.memref_slice %arg5[%dma_start3A_7] : memref<25600xi32, #tpu.memory_space<vmem>> -> memref<1600xi32, #tpu.memory_space<vmem>>
    %dma_start3A_9 = arith.constant 0 : i32
    %dma_start3A_10 = arith.constant 0 : i32
    %dma_start3A_11 = tpu.memref_slice %arg3[%dma_start3A_9, %dma_start3A_10] : memref<1000000x32xf32, #tpu.memory_space<hbm>> -> memref<1000000x32xf32, #tpu.memory_space<hbm>>
    tpu.enqueue_indirect_dma source(%dma_start3A_11 : memref<1000000x32xf32, #tpu.memory_space<hbm>>) target(%dma_start3A_6 : memref<1600x32xf32, #tpu.memory_space<vmem>>) offsets(%dma_start3A_8 : memref<1600xi32, #tpu.memory_space<vmem>>) semaphore(%arg7 : memref<!tpu.dma_semaphore, #tpu.memory_space<semaphore_mem>>)
    %dma_start3A_12 = arith.constant 1 : i32
    %dma_start3A_13 = arith.constant 0 : i32
    %dma_start3A_14 = arith.constant 0 : i32
    %dma_start3A_15 = tpu.memref_slice %arg6[%dma_start3A_12, %dma_start3A_13, %dma_start3A_14] : memref<2x1600x32xf32, #tpu.memory_space<vmem>> -> memref<1x1600x32xf32, #tpu.memory_space<vmem>>
    %dma_start3A_16 = tpu.memref_squeeze %dma_start3A_15 : memref<1x1600x32xf32, #tpu.memory_space<vmem>> -> memref<1600x32xf32, #tpu.memory_space<vmem>>
    %dma_start3A_17 = arith.constant 1600 : i32
    %dma_start3A_18 = tpu.memref_slice %arg5[%dma_start3A_17] : memref<25600xi32, #tpu.memory_space<vmem>> -> memref<1600xi32, #tpu.memory_space<vmem>>
    %dma_start3A_19 = arith.constant 0 : i32
    %dma_start3A_20 = arith.constant 0 : i32
    %dma_start3A_21 = tpu.memref_slice %arg3[%dma_start3A_19, %dma_start3A_20] : memref<1000000x32xf32, #tpu.memory_space<hbm>> -> memref<1000000x32xf32, #tpu.memory_space<hbm>>
    tpu.enqueue_indirect_dma source(%dma_start3A_21 : memref<1000000x32xf32, #tpu.memory_space<hbm>>) target(%dma_start3A_16 : memref<1600x32xf32, #tpu.memory_space<vmem>>) offsets(%dma_start3A_18 : memref<1600xi32, #tpu.memory_space<vmem>>) semaphore(%arg8 : memref<!tpu.dma_semaphore, #tpu.memory_space<semaphore_mem>>)
    %dma_wait3A = arith.constant 0 : i32
    %dma_wait3A_22 = arith.constant 0 : i32
    %dma_wait3A_23 = arith.constant 0 : i32
    %dma_wait3A_24 = tpu.memref_slice %arg6[%dma_wait3A, %dma_wait3A_22, %dma_wait3A_23] : memref<2x1600x32xf32, #tpu.memory_space<vmem>> -> memref<1x1600x32xf32, #tpu.memory_space<vmem>>
    %dma_wait3A_25 = tpu.memref_squeeze %dma_wait3A_24 : memref<1x1600x32xf32, #tpu.memory_space<vmem>> -> memref<1600x32xf32, #tpu.memory_space<vmem>>
    %dma_wait3A_26 = arith.constant 0 : i32
    %dma_wait3A_27 = tpu.memref_slice %arg5[%dma_wait3A_26] : memref<25600xi32, #tpu.memory_space<vmem>> -> memref<1600xi32, #tpu.memory_space<vmem>>
    %dma_wait3A_28 = arith.constant 0 : i32
    %dma_wait3A_29 = arith.constant 0 : i32
    %dma_wait3A_30 = tpu.memref_slice %arg3[%dma_wait3A_28, %dma_wait3A_29] : memref<1000000x32xf32, #tpu.memory_space<hbm>> -> memref<1000000x32xf32, #tpu.memory_space<hbm>>
    tpu.wait_indirect_dma semaphore(%arg7 : memref<!tpu.dma_semaphore, #tpu.memory_space<semaphore_mem>>) src(%dma_wait3A_30 : memref<1000000x32xf32, #tpu.memory_space<hbm>>) dst(%dma_wait3A_25 : memref<1600x32xf32, #tpu.memory_space<vmem>>)
    %add3A_31 = arith.constant 0 : i32
    %add3A_32 = arith.addi %mul3A_2, %add3A_31 : i32
    %dma_start3A_33 = arith.constant 0 : i32
    %dma_start3A_34 = arith.constant 0 : i32
    %dma_start3A_35 = arith.constant 0 : i32
    %dma_start3A_36 = tpu.memref_slice %arg6[%dma_start3A_33, %dma_start3A_34, %dma_start3A_35] : memref<2x1600x32xf32, #tpu.memory_space<vmem>> -> memref<1x1600x32xf32, #tpu.memory_space<vmem>>
    %dma_start3A_37 = tpu.memref_squeeze %dma_start3A_36 : memref<1x1600x32xf32, #tpu.memory_space<vmem>> -> memref<1600x32xf32, #tpu.memory_space<vmem>>
    %dma_start3A_38 = arith.constant 0 : i32
    %dma_start3A_39 = tpu.memref_slice %arg4[%add3A_32, %dma_start3A_38] : memref<819200x128xf32, #tpu.memory_space<hbm>> -> memref<1600x32xf32, #tpu.memory_space<hbm>>
    %dma_start3A_40 = arith.constant 0 : i32
    %dma_start3A_41 = tpu.memref_slice %arg4[%add3A_32, %dma_start3A_40] : memref<819200x128xf32, #tpu.memory_space<hbm>> -> memref<1600x32xf32, #tpu.memory_space<hbm>>
    %dma_start3A_42 = arith.constant 0 : i32
    %dma_start3A_43 = arith.constant 0 : i32
    %dma_start3A_44 = tpu.memref_slice %arg6[%dma_start3A_33, %dma_start3A_42, %dma_start3A_43] : memref<2x1600x32xf32, #tpu.memory_space<vmem>> -> memref<1x1600x32xf32, #tpu.memory_space<vmem>>
    %dma_start3A_45 = tpu.memref_squeeze %dma_start3A_44 : memref<1x1600x32xf32, #tpu.memory_space<vmem>> -> memref<1600x32xf32, #tpu.memory_space<vmem>>
    tpu.enqueue_dma source(%dma_start3A_45 : memref<1600x32xf32, #tpu.memory_space<vmem>>) target(%dma_start3A_41 : memref<1600x32xf32, #tpu.memory_space<hbm>>) target_semaphore(%arg9 : memref<!tpu.dma_semaphore, #tpu.memory_space<semaphore_mem>>)
    %dma_wait3A_46 = arith.constant 0 : i32
    %dma_wait3A_47 = arith.constant 0 : i32
    %dma_wait3A_48 = arith.constant 0 : i32
    %dma_wait3A_49 = tpu.memref_slice %arg6[%dma_wait3A_46, %dma_wait3A_47, %dma_wait3A_48] : memref<2x1600x32xf32, #tpu.memory_space<vmem>> -> memref<1x1600x32xf32, #tpu.memory_space<vmem>>
    %dma_wait3A_50 = tpu.memref_squeeze %dma_wait3A_49 : memref<1x1600x32xf32, #tpu.memory_space<vmem>> -> memref<1600x32xf32, #tpu.memory_space<vmem>>
    %dma_wait3A_51 = arith.constant 0 : i32
    %dma_wait3A_52 = tpu.memref_slice %arg4[%add3A_32, %dma_wait3A_51] : memref<819200x128xf32, #tpu.memory_space<hbm>> -> memref<1600x32xf32, #tpu.memory_space<hbm>>
    %dma_wait3A_53 = arith.constant 0 : i32
    %dma_wait3A_54 = tpu.memref_slice %arg4[%add3A_32, %dma_wait3A_53] : memref<819200x128xf32, #tpu.memory_space<hbm>> -> memref<1600x32xf32, #tpu.memory_space<hbm>>
    %dma_wait3A_55 = arith.constant 0 : i32
    %dma_wait3A_56 = arith.constant 0 : i32
    %dma_wait3A_57 = tpu.memref_slice %arg6[%dma_wait3A_46, %dma_wait3A_55, %dma_wait3A_56] : memref<2x1600x32xf32, #tpu.memory_space<vmem>> -> memref<1x1600x32xf32, #tpu.memory_space<vmem>>
    %dma_wait3A_58 = tpu.memref_squeeze %dma_wait3A_57 : memref<1x1600x32xf32, #tpu.memory_space<vmem>> -> memref<1600x32xf32, #tpu.memory_space<vmem>>
    tpu.wait_dma2 semaphore(%arg9 : memref<!tpu.dma_semaphore, #tpu.memory_space<semaphore_mem>>) src(%dma_wait3A_58 : memref<1600x32xf32, #tpu.memory_space<vmem>>) dst(%dma_wait3A_54 : memref<1600x32xf32, #tpu.memory_space<hbm>>)
    %dma_start3A_59 = arith.constant 0 : i32
    %dma_start3A_60 = arith.constant 0 : i32
    %dma_start3A_61 = arith.constant 0 : i32
    %dma_start3A_62 = tpu.memref_slice %arg6[%dma_start3A_59, %dma_start3A_60, %dma_start3A_61] : memref<2x1600x32xf32, #tpu.memory_space<vmem>> -> memref<1x1600x32xf32, #tpu.memory_space<vmem>>
    %dma_start3A_63 = tpu.memref_squeeze %dma_start3A_62 : memref<1x1600x32xf32, #tpu.memory_space<vmem>> -> memref<1600x32xf32, #tpu.memory_space<vmem>>
    %dma_start3A_64 = arith.constant 3200 : i32
    %dma_start3A_65 = tpu.memref_slice %arg5[%dma_start3A_64] : memref<25600xi32, #tpu.memory_space<vmem>> -> memref<1600xi32, #tpu.memory_space<vmem>>
    %dma_start3A_66 = arith.constant 0 : i32
    %dma_start3A_67 = arith.constant 0 : i32
    %dma_start3A_68 = tpu.memref_slice %arg3[%dma_start3A_66, %dma_start3A_67] : memref<1000000x32xf32, #tpu.memory_space<hbm>> -> memref<1000000x32xf32, #tpu.memory_space<hbm>>
    tpu.enqueue_indirect_dma source(%dma_start3A_68 : memref<1000000x32xf32, #tpu.memory_space<hbm>>) target(%dma_start3A_63 : memref<1600x32xf32, #tpu.memory_space<vmem>>) offsets(%dma_start3A_65 : memref<1600xi32, #tpu.memory_space<vmem>>) semaphore(%arg7 : memref<!tpu.dma_semaphore, #tpu.memory_space<semaphore_mem>>)
    %dma_wait3A_69 = arith.constant 1 : i32
    %dma_wait3A_70 = arith.constant 0 : i32
    %dma_wait3A_71 = arith.constant 0 : i32
    %dma_wait3A_72 = tpu.memref_slice %arg6[%dma_wait3A_69, %dma_wait3A_70, %dma_wait3A_71] : memref<2x1600x32xf32, #tpu.memory_space<vmem>> -> memref<1x1600x32xf32, #tpu.memory_space<vmem>>
    %dma_wait3A_73 = tpu.memref_squeeze %dma_wait3A_72 : memref<1x1600x32xf32, #tpu.memory_space<vmem>> -> memref<1600x32xf32, #tpu.memory_space<vmem>>
    %dma_wait3A_74 = arith.constant 1600 : i32
    %dma_wait3A_75 = tpu.memref_slice %arg5[%dma_wait3A_74] : memref<25600xi32, #tpu.memory_space<vmem>> -> memref<1600xi32, #tpu.memory_space<vmem>>
    %dma_wait3A_76 = arith.constant 0 : i32
    %dma_wait3A_77 = arith.constant 0 : i32
    %dma_wait3A_78 = tpu.memref_slice %arg3[%dma_wait3A_76, %dma_wait3A_77] : memref<1000000x32xf32, #tpu.memory_space<hbm>> -> memref<1000000x32xf32, #tpu.memory_space<hbm>>
    tpu.wait_indirect_dma semaphore(%arg8 : memref<!tpu.dma_semaphore, #tpu.memory_space<semaphore_mem>>) src(%dma_wait3A_78 : memref<1000000x32xf32, #tpu.memory_space<hbm>>) dst(%dma_wait3A_73 : memref<1600x32xf32, #tpu.memory_space<vmem>>)
    %add3A_79 = arith.constant 1600 : i32
    %add3A_80 = arith.addi %mul3A_2, %add3A_79 : i32
    %dma_start3A_81 = arith.constant 1 : i32
    %dma_start3A_82 = arith.constant 0 : i32
    %dma_start3A_83 = arith.constant 0 : i32
    %dma_start3A_84 = tpu.memref_slice %arg6[%dma_start3A_81, %dma_start3A_82, %dma_start3A_83] : memref<2x1600x32xf32, #tpu.memory_space<vmem>> -> memref<1x1600x32xf32, #tpu.memory_space<vmem>>
    %dma_start3A_85 = tpu.memref_squeeze %dma_start3A_84 : memref<1x1600x32xf32, #tpu.memory_space<vmem>> -> memref<1600x32xf32, #tpu.memory_space<vmem>>
    %dma_start3A_86 = arith.constant 0 : i32
    %dma_start3A_87 = tpu.memref_slice %arg4[%add3A_80, %dma_start3A_86] : memref<819200x128xf32, #tpu.memory_space<hbm>> -> memref<1600x32xf32, #tpu.memory_space<hbm>>
    %dma_start3A_88 = arith.constant 0 : i32
    %dma_start3A_89 = tpu.memref_slice %arg4[%add3A_80, %dma_start3A_88] : memref<819200x128xf32, #tpu.memory_space<hbm>> -> memref<1600x32xf32, #tpu.memory_space<hbm>>
    %dma_start3A_90 = arith.constant 0 : i32
    %dma_start3A_91 = arith.constant 0 : i32
    %dma_start3A_92 = tpu.memref_slice %arg6[%dma_start3A_81, %dma_start3A_90, %dma_start3A_91] : memref<2x1600x32xf32, #tpu.memory_space<vmem>> -> memref<1x1600x32xf32, #tpu.memory_space<vmem>>
    %dma_start3A_93 = tpu.memref_squeeze %dma_start3A_92 : memref<1x1600x32xf32, #tpu.memory_space<vmem>> -> memref<1600x32xf32, #tpu.memory_space<vmem>>
    tpu.enqueue_dma source(%dma_start3A_93 : memref<1600x32xf32, #tpu.memory_space<vmem>>) target(%dma_start3A_89 : memref<1600x32xf32, #tpu.memory_space<hbm>>) target_semaphore(%arg10 : memref<!tpu.dma_semaphore, #tpu.memory_space<semaphore_mem>>)
    %dma_wait3A_94 = arith.constant 1 : i32
    %dma_wait3A_95 = arith.constant 0 : i32
    %dma_wait3A_96 = arith.constant 0 : i32
    %dma_wait3A_97 = tpu.memref_slice %arg6[%dma_wait3A_94, %dma_wait3A_95, %dma_wait3A_96] : memref<2x1600x32xf32, #tpu.memory_space<vmem>> -> memref<1x1600x32xf32, #tpu.memory_space<vmem>>
    %dma_wait3A_98 = tpu.memref_squeeze %dma_wait3A_97 : memref<1x1600x32xf32, #tpu.memory_space<vmem>> -> memref<1600x32xf32, #tpu.memory_space<vmem>>
    %dma_wait3A_99 = arith.constant 0 : i32
    %dma_wait3A_100 = tpu.memref_slice %arg4[%add3A_80, %dma_wait3A_99] : memref<819200x128xf32, #tpu.memory_space<hbm>> -> memref<1600x32xf32, #tpu.memory_space<hbm>>
    %dma_wait3A_101 = arith.constant 0 : i32
    %dma_wait3A_102 = tpu.memref_slice %arg4[%add3A_80, %dma_wait3A_101] : memref<819200x128xf32, #tpu.memory_space<hbm>> -> memref<1600x32xf32, #tpu.memory_space<hbm>>
    %dma_wait3A_103 = arith.constant 0 : i32
    %dma_wait3A_104 = arith.constant 0 : i32
    %dma_wait3A_105 = tpu.memref_slice %arg6[%dma_wait3A_94, %dma_wait3A_103, %dma_wait3A_104] : memref<2x1600x32xf32, #tpu.memory_space<vmem>> -> memref<1x1600x32xf32, #tpu.memory_space<vmem>>
    %dma_wait3A_106 = tpu.memref_squeeze %dma_wait3A_105 : memref<1x1600x32xf32, #tpu.memory_space<vmem>> -> memref<1600x32xf32, #tpu.memory_space<vmem>>
    tpu.wait_dma2 semaphore(%arg10 : memref<!tpu.dma_semaphore, #tpu.memory_space<semaphore_mem>>) src(%dma_wait3A_106 : memref<1600x32xf32, #tpu.memory_space<vmem>>) dst(%dma_wait3A_102 : memref<1600x32xf32, #tpu.memory_space<hbm>>)
    %dma_start3A_107 = arith.constant 1 : i32
    %dma_start3A_108 = arith.constant 0 : i32
    %dma_start3A_109 = arith.constant 0 : i32
    %dma_start3A_110 = tpu.memref_slice %arg6[%dma_start3A_107, %dma_start3A_108, %dma_start3A_109] : memref<2x1600x32xf32, #tpu.memory_space<vmem>> -> memref<1x1600x32xf32, #tpu.memory_space<vmem>>
    %dma_start3A_111 = tpu.memref_squeeze %dma_start3A_110 : memref<1x1600x32xf32, #tpu.memory_space<vmem>> -> memref<1600x32xf32, #tpu.memory_space<vmem>>
    %dma_start3A_112 = arith.constant 4800 : i32
    %dma_start3A_113 = tpu.memref_slice %arg5[%dma_start3A_112] : memref<25600xi32, #tpu.memory_space<vmem>> -> memref<1600xi32, #tpu.memory_space<vmem>>
    %dma_start3A_114 = arith.constant 0 : i32
    %dma_start3A_115 = arith.constant 0 : i32
    %dma_start3A_116 = tpu.memref_slice %arg3[%dma_start3A_114, %dma_start3A_115] : memref<1000000x32xf32, #tpu.memory_space<hbm>> -> memref<1000000x32xf32, #tpu.memory_space<hbm>>
    tpu.enqueue_indirect_dma source(%dma_start3A_116 : memref<1000000x32xf32, #tpu.memory_space<hbm>>) target(%dma_start3A_111 : memref<1600x32xf32, #tpu.memory_space<vmem>>) offsets(%dma_start3A_113 : memref<1600xi32, #tpu.memory_space<vmem>>) semaphore(%arg8 : memref<!tpu.dma_semaphore, #tpu.memory_space<semaphore_mem>>)
    %dma_wait3A_117 = arith.constant 0 : i32
    %dma_wait3A_118 = arith.constant 0 : i32
    %dma_wait3A_119 = arith.constant 0 : i32
    %dma_wait3A_120 = tpu.memref_slice %arg6[%dma_wait3A_117, %dma_wait3A_118, %dma_wait3A_119] : memref<2x1600x32xf32, #tpu.memory_space<vmem>> -> memref<1x1600x32xf32, #tpu.memory_space<vmem>>
    %dma_wait3A_121 = tpu.memref_squeeze %dma_wait3A_120 : memref<1x1600x32xf32, #tpu.memory_space<vmem>> -> memref<1600x32xf32, #tpu.memory_space<vmem>>
    %dma_wait3A_122 = arith.constant 3200 : i32
    %dma_wait3A_123 = tpu.memref_slice %arg5[%dma_wait3A_122] : memref<25600xi32, #tpu.memory_space<vmem>> -> memref<1600xi32, #tpu.memory_space<vmem>>
    %dma_wait3A_124 = arith.constant 0 : i32
    %dma_wait3A_125 = arith.constant 0 : i32
    %dma_wait3A_126 = tpu.memref_slice %arg3[%dma_wait3A_124, %dma_wait3A_125] : memref<1000000x32xf32, #tpu.memory_space<hbm>> -> memref<1000000x32xf32, #tpu.memory_space<hbm>>
    tpu.wait_indirect_dma semaphore(%arg7 : memref<!tpu.dma_semaphore, #tpu.memory_space<semaphore_mem>>) src(%dma_wait3A_126 : memref<1000000x32xf32, #tpu.memory_space<hbm>>) dst(%dma_wait3A_121 : memref<1600x32xf32, #tpu.memory_space<vmem>>)
    %add3A_127 = arith.constant 3200 : i32
    %add3A_128 = arith.addi %mul3A_2, %add3A_127 : i32
    %dma_start3A_129 = arith.constant 0 : i32
    %dma_start3A_130 = arith.constant 0 : i32
    %dma_start3A_131 = arith.constant 0 : i32
    %dma_start3A_132 = tpu.memref_slice %arg6[%dma_start3A_129, %dma_start3A_130, %dma_start3A_131] : memref<2x1600x32xf32, #tpu.memory_space<vmem>> -> memref<1x1600x32xf32, #tpu.memory_space<vmem>>
    %dma_start3A_133 = tpu.memref_squeeze %dma_start3A_132 : memref<1x1600x32xf32, #tpu.memory_space<vmem>> -> memref<1600x32xf32, #tpu.memory_space<vmem>>
    %dma_start3A_134 = arith.constant 0 : i32
    %dma_start3A_135 = tpu.memref_slice %arg4[%add3A_128, %dma_start3A_134] : memref<819200x128xf32, #tpu.memory_space<hbm>> -> memref<1600x32xf32, #tpu.memory_space<hbm>>
    %dma_start3A_136 = arith.constant 0 : i32
    %dma_start3A_137 = tpu.memref_slice %arg4[%add3A_128, %dma_start3A_136] : memref<819200x128xf32, #tpu.memory_space<hbm>> -> memref<1600x32xf32, #tpu.memory_space<hbm>>
    %dma_start3A_138 = arith.constant 0 : i32
    %dma_start3A_139 = arith.constant 0 : i32
    %dma_start3A_140 = tpu.memref_slice %arg6[%dma_start3A_129, %dma_start3A_138, %dma_start3A_139] : memref<2x1600x32xf32, #tpu.memory_space<vmem>> -> memref<1x1600x32xf32, #tpu.memory_space<vmem>>
    %dma_start3A_141 = tpu.memref_squeeze %dma_start3A_140 : memref<1x1600x32xf32, #tpu.memory_space<vmem>> -> memref<1600x32xf32, #tpu.memory_space<vmem>>
    tpu.enqueue_dma source(%dma_start3A_141 : memref<1600x32xf32, #tpu.memory_space<vmem>>) target(%dma_start3A_137 : memref<1600x32xf32, #tpu.memory_space<hbm>>) target_semaphore(%arg9 : memref<!tpu.dma_semaphore, #tpu.memory_space<semaphore_mem>>)
    %dma_wait3A_142 = arith.constant 0 : i32
    %dma_wait3A_143 = arith.constant 0 : i32
    %dma_wait3A_144 = arith.constant 0 : i32
    %dma_wait3A_145 = tpu.memref_slice %arg6[%dma_wait3A_142, %dma_wait3A_143, %dma_wait3A_144] : memref<2x1600x32xf32, #tpu.memory_space<vmem>> -> memref<1x1600x32xf32, #tpu.memory_space<vmem>>
    %dma_wait3A_146 = tpu.memref_squeeze %dma_wait3A_145 : memref<1x1600x32xf32, #tpu.memory_space<vmem>> -> memref<1600x32xf32, #tpu.memory_space<vmem>>
    %dma_wait3A_147 = arith.constant 0 : i32
    %dma_wait3A_148 = tpu.memref_slice %arg4[%add3A_128, %dma_wait3A_147] : memref<819200x128xf32, #tpu.memory_space<hbm>> -> memref<1600x32xf32, #tpu.memory_space<hbm>>
    %dma_wait3A_149 = arith.constant 0 : i32
    %dma_wait3A_150 = tpu.memref_slice %arg4[%add3A_128, %dma_wait3A_149] : memref<819200x128xf32, #tpu.memory_space<hbm>> -> memref<1600x32xf32, #tpu.memory_space<hbm>>
    %dma_wait3A_151 = arith.constant 0 : i32
    %dma_wait3A_152 = arith.constant 0 : i32
    %dma_wait3A_153 = tpu.memref_slice %arg6[%dma_wait3A_142, %dma_wait3A_151, %dma_wait3A_152] : memref<2x1600x32xf32, #tpu.memory_space<vmem>> -> memref<1x1600x32xf32, #tpu.memory_space<vmem>>
    %dma_wait3A_154 = tpu.memref_squeeze %dma_wait3A_153 : memref<1x1600x32xf32, #tpu.memory_space<vmem>> -> memref<1600x32xf32, #tpu.memory_space<vmem>>
    tpu.wait_dma2 semaphore(%arg9 : memref<!tpu.dma_semaphore, #tpu.memory_space<semaphore_mem>>) src(%dma_wait3A_154 : memref<1600x32xf32, #tpu.memory_space<vmem>>) dst(%dma_wait3A_150 : memref<1600x32xf32, #tpu.memory_space<hbm>>)
    %dma_start3A_155 = arith.constant 0 : i32
    %dma_start3A_156 = arith.constant 0 : i32
    %dma_start3A_157 = arith.constant 0 : i32
    %dma_start3A_158 = tpu.memref_slice %arg6[%dma_start3A_155, %dma_start3A_156, %dma_start3A_157] : memref<2x1600x32xf32, #tpu.memory_space<vmem>> -> memref<1x1600x32xf32, #tpu.memory_space<vmem>>
    %dma_start3A_159 = tpu.memref_squeeze %dma_start3A_158 : memref<1x1600x32xf32, #tpu.memory_space<vmem>> -> memref<1600x32xf32, #tpu.memory_space<vmem>>
    %dma_start3A_160 = arith.constant 6400 : i32
    %dma_start3A_161 = tpu.memref_slice %arg5[%dma_start3A_160] : memref<25600xi32, #tpu.memory_space<vmem>> -> memref<1600xi32, #tpu.memory_space<vmem>>
    %dma_start3A_162 = arith.constant 0 : i32
    %dma_start3A_163 = arith.constant 0 : i32
    %dma_start3A_164 = tpu.memref_slice %arg3[%dma_start3A_162, %dma_start3A_163] : memref<1000000x32xf32, #tpu.memory_space<hbm>> -> memref<1000000x32xf32, #tpu.memory_space<hbm>>
    tpu.enqueue_indirect_dma source(%dma_start3A_164 : memref<1000000x32xf32, #tpu.memory_space<hbm>>) target(%dma_start3A_159 : memref<1600x32xf32, #tpu.memory_space<vmem>>) offsets(%dma_start3A_161 : memref<1600xi32, #tpu.memory_space<vmem>>) semaphore(%arg7 : memref<!tpu.dma_semaphore, #tpu.memory_space<semaphore_mem>>)
    %dma_wait3A_165 = arith.constant 1 : i32
    %dma_wait3A_166 = arith.constant 0 : i32
    %dma_wait3A_167 = arith.constant 0 : i32
    %dma_wait3A_168 = tpu.memref_slice %arg6[%dma_wait3A_165, %dma_wait3A_166, %dma_wait3A_167] : memref<2x1600x32xf32, #tpu.memory_space<vmem>> -> memref<1x1600x32xf32, #tpu.memory_space<vmem>>
    %dma_wait3A_169 = tpu.memref_squeeze %dma_wait3A_168 : memref<1x1600x32xf32, #tpu.memory_space<vmem>> -> memref<1600x32xf32, #tpu.memory_space<vmem>>
    %dma_wait3A_170 = arith.constant 4800 : i32
    %dma_wait3A_171 = tpu.memref_slice %arg5[%dma_wait3A_170] : memref<25600xi32, #tpu.memory_space<vmem>> -> memref<1600xi32, #tpu.memory_space<vmem>>
    %dma_wait3A_172 = arith.constant 0 : i32
    %dma_wait3A_173 = arith.constant 0 : i32
    %dma_wait3A_174 = tpu.memref_slice %arg3[%dma_wait3A_172, %dma_wait3A_173] : memref<1000000x32xf32, #tpu.memory_space<hbm>> -> memref<1000000x32xf32, #tpu.memory_space<hbm>>
    tpu.wait_indirect_dma semaphore(%arg8 : memref<!tpu.dma_semaphore, #tpu.memory_space<semaphore_mem>>) src(%dma_wait3A_174 : memref<1000000x32xf32, #tpu.memory_space<hbm>>) dst(%dma_wait3A_169 : memref<1600x32xf32, #tpu.memory_space<vmem>>)
    %add3A_175 = arith.constant 4800 : i32
    %add3A_176 = arith.addi %mul3A_2, %add3A_175 : i32
    %dma_start3A_177 = arith.constant 1 : i32
    %dma_start3A_178 = arith.constant 0 : i32
    %dma_start3A_179 = arith.constant 0 : i32
    %dma_start3A_180 = tpu.memref_slice %arg6[%dma_start3A_177, %dma_start3A_178, %dma_start3A_179] : memref<2x1600x32xf32, #tpu.memory_space<vmem>> -> memref<1x1600x32xf32, #tpu.memory_space<vmem>>
    %dma_start3A_181 = tpu.memref_squeeze %dma_start3A_180 : memref<1x1600x32xf32, #tpu.memory_space<vmem>> -> memref<1600x32xf32, #tpu.memory_space<vmem>>
    %dma_start3A_182 = arith.constant 0 : i32
    %dma_start3A_183 = tpu.memref_slice %arg4[%add3A_176, %dma_start3A_182] : memref<819200x128xf32, #tpu.memory_space<hbm>> -> memref<1600x32xf32, #tpu.memory_space<hbm>>
    %dma_start3A_184 = arith.constant 0 : i32
    %dma_start3A_185 = tpu.memref_slice %arg4[%add3A_176, %dma_start3A_184] : memref<819200x128xf32, #tpu.memory_space<hbm>> -> memref<1600x32xf32, #tpu.memory_space<hbm>>
    %dma_start3A_186 = arith.constant 0 : i32
    %dma_start3A_187 = arith.constant 0 : i32
    %dma_start3A_188 = tpu.memref_slice %arg6[%dma_start3A_177, %dma_start3A_186, %dma_start3A_187] : memref<2x1600x32xf32, #tpu.memory_space<vmem>> -> memref<1x1600x32xf32, #tpu.memory_space<vmem>>
    %dma_start3A_189 = tpu.memref_squeeze %dma_start3A_188 : memref<1x1600x32xf32, #tpu.memory_space<vmem>> -> memref<1600x32xf32, #tpu.memory_space<vmem>>
    tpu.enqueue_dma source(%dma_start3A_189 : memref<1600x32xf32, #tpu.memory_space<vmem>>) target(%dma_start3A_185 : memref<1600x32xf32, #tpu.memory_space<hbm>>) target_semaphore(%arg10 : memref<!tpu.dma_semaphore, #tpu.memory_space<semaphore_mem>>)
    %dma_wait3A_190 = arith.constant 1 : i32
    %dma_wait3A_191 = arith.constant 0 : i32
    %dma_wait3A_192 = arith.constant 0 : i32
    %dma_wait3A_193 = tpu.memref_slice %arg6[%dma_wait3A_190, %dma_wait3A_191, %dma_wait3A_192] : memref<2x1600x32xf32, #tpu.memory_space<vmem>> -> memref<1x1600x32xf32, #tpu.memory_space<vmem>>
    %dma_wait3A_194 = tpu.memref_squeeze %dma_wait3A_193 : memref<1x1600x32xf32, #tpu.memory_space<vmem>> -> memref<1600x32xf32, #tpu.memory_space<vmem>>
    %dma_wait3A_195 = arith.constant 0 : i32
    %dma_wait3A_196 = tpu.memref_slice %arg4[%add3A_176, %dma_wait3A_195] : memref<819200x128xf32, #tpu.memory_space<hbm>> -> memref<1600x32xf32, #tpu.memory_space<hbm>>
    %dma_wait3A_197 = arith.constant 0 : i32
    %dma_wait3A_198 = tpu.memref_slice %arg4[%add3A_176, %dma_wait3A_197] : memref<819200x128xf32, #tpu.memory_space<hbm>> -> memref<1600x32xf32, #tpu.memory_space<hbm>>
    %dma_wait3A_199 = arith.constant 0 : i32
    %dma_wait3A_200 = arith.constant 0 : i32
    %dma_wait3A_201 = tpu.memref_slice %arg6[%dma_wait3A_190, %dma_wait3A_199, %dma_wait3A_200] : memref<2x1600x32xf32, #tpu.memory_space<vmem>> -> memref<1x1600x32xf32, #tpu.memory_space<vmem>>
    %dma_wait3A_202 = tpu.memref_squeeze %dma_wait3A_201 : memref<1x1600x32xf32, #tpu.memory_space<vmem>> -> memref<1600x32xf32, #tpu.memory_space<vmem>>
    tpu.wait_dma2 semaphore(%arg10 : memref<!tpu.dma_semaphore, #tpu.memory_space<semaphore_mem>>) src(%dma_wait3A_202 : memref<1600x32xf32, #tpu.memory_space<vmem>>) dst(%dma_wait3A_198 : memref<1600x32xf32, #tpu.memory_space<hbm>>)
    %dma_start3A_203 = arith.constant 1 : i32
    %dma_start3A_204 = arith.constant 0 : i32
    %dma_start3A_205 = arith.constant 0 : i32
    %dma_start3A_206 = tpu.memref_slice %arg6[%dma_start3A_203, %dma_start3A_204, %dma_start3A_205] : memref<2x1600x32xf32, #tpu.memory_space<vmem>> -> memref<1x1600x32xf32, #tpu.memory_space<vmem>>
    %dma_start3A_207 = tpu.memref_squeeze %dma_start3A_206 : memref<1x1600x32xf32, #tpu.memory_space<vmem>> -> memref<1600x32xf32, #tpu.memory_space<vmem>>
    %dma_start3A_208 = arith.constant 8000 : i32
    %dma_start3A_209 = tpu.memref_slice %arg5[%dma_start3A_208] : memref<25600xi32, #tpu.memory_space<vmem>> -> memref<1600xi32, #tpu.memory_space<vmem>>
    %dma_start3A_210 = arith.constant 0 : i32
    %dma_start3A_211 = arith.constant 0 : i32
    %dma_start3A_212 = tpu.memref_slice %arg3[%dma_start3A_210, %dma_start3A_211] : memref<1000000x32xf32, #tpu.memory_space<hbm>> -> memref<1000000x32xf32, #tpu.memory_space<hbm>>
    tpu.enqueue_indirect_dma source(%dma_start3A_212 : memref<1000000x32xf32, #tpu.memory_space<hbm>>) target(%dma_start3A_207 : memref<1600x32xf32, #tpu.memory_space<vmem>>) offsets(%dma_start3A_209 : memref<1600xi32, #tpu.memory_space<vmem>>) semaphore(%arg8 : memref<!tpu.dma_semaphore, #tpu.memory_space<semaphore_mem>>)
    %dma_wait3A_213 = arith.constant 0 : i32
    %dma_wait3A_214 = arith.constant 0 : i32
    %dma_wait3A_215 = arith.constant 0 : i32
    %dma_wait3A_216 = tpu.memref_slice %arg6[%dma_wait3A_213, %dma_wait3A_214, %dma_wait3A_215] : memref<2x1600x32xf32, #tpu.memory_space<vmem>> -> memref<1x1600x32xf32, #tpu.memory_space<vmem>>
    %dma_wait3A_217 = tpu.memref_squeeze %dma_wait3A_216 : memref<1x1600x32xf32, #tpu.memory_space<vmem>> -> memref<1600x32xf32, #tpu.memory_space<vmem>>
    %dma_wait3A_218 = arith.constant 6400 : i32
    %dma_wait3A_219 = tpu.memref_slice %arg5[%dma_wait3A_218] : memref<25600xi32, #tpu.memory_space<vmem>> -> memref<1600xi32, #tpu.memory_space<vmem>>
    %dma_wait3A_220 = arith.constant 0 : i32
    %dma_wait3A_221 = arith.constant 0 : i32
    %dma_wait3A_222 = tpu.memref_slice %arg3[%dma_wait3A_220, %dma_wait3A_221] : memref<1000000x32xf32, #tpu.memory_space<hbm>> -> memref<1000000x32xf32, #tpu.memory_space<hbm>>
    tpu.wait_indirect_dma semaphore(%arg7 : memref<!tpu.dma_semaphore, #tpu.memory_space<semaphore_mem>>) src(%dma_wait3A_222 : memref<1000000x32xf32, #tpu.memory_space<hbm>>) dst(%dma_wait3A_217 : memref<1600x32xf32, #tpu.memory_space<vmem>>)
    %add3A_223 = arith.constant 6400 : i32
    %add3A_224 = arith.addi %mul3A_2, %add3A_223 : i32
    %dma_start3A_225 = arith.constant 0 : i32
    %dma_start3A_226 = arith.constant 0 : i32
    %dma_start3A_227 = arith.constant 0 : i32
    %dma_start3A_228 = tpu.memref_slice %arg6[%dma_start3A_225, %dma_start3A_226, %dma_start3A_227] : memref<2x1600x32xf32, #tpu.memory_space<vmem>> -> memref<1x1600x32xf32, #tpu.memory_space<vmem>>
    %dma_start3A_229 = tpu.memref_squeeze %dma_start3A_228 : memref<1x1600x32xf32, #tpu.memory_space<vmem>> -> memref<1600x32xf32, #tpu.memory_space<vmem>>
    %dma_start3A_230 = arith.constant 0 : i32
    %dma_start3A_231 = tpu.memref_slice %arg4[%add3A_224, %dma_start3A_230] : memref<819200x128xf32, #tpu.memory_space<hbm>> -> memref<1600x32xf32, #tpu.memory_space<hbm>>
    %dma_start3A_232 = arith.constant 0 : i32
    %dma_start3A_233 = tpu.memref_slice %arg4[%add3A_224, %dma_start3A_232] : memref<819200x128xf32, #tpu.memory_space<hbm>> -> memref<1600x32xf32, #tpu.memory_space<hbm>>
    %dma_start3A_234 = arith.constant 0 : i32
    %dma_start3A_235 = arith.constant 0 : i32
    %dma_start3A_236 = tpu.memref_slice %arg6[%dma_start3A_225, %dma_start3A_234, %dma_start3A_235] : memref<2x1600x32xf32, #tpu.memory_space<vmem>> -> memref<1x1600x32xf32, #tpu.memory_space<vmem>>
    %dma_start3A_237 = tpu.memref_squeeze %dma_start3A_236 : memref<1x1600x32xf32, #tpu.memory_space<vmem>> -> memref<1600x32xf32, #tpu.memory_space<vmem>>
    tpu.enqueue_dma source(%dma_start3A_237 : memref<1600x32xf32, #tpu.memory_space<vmem>>) target(%dma_start3A_233 : memref<1600x32xf32, #tpu.memory_space<hbm>>) target_semaphore(%arg9 : memref<!tpu.dma_semaphore, #tpu.memory_space<semaphore_mem>>)
    %dma_wait3A_238 = arith.constant 0 : i32
    %dma_wait3A_239 = arith.constant 0 : i32
    %dma_wait3A_240 = arith.constant 0 : i32
    %dma_wait3A_241 = tpu.memref_slice %arg6[%dma_wait3A_238, %dma_wait3A_239, %dma_wait3A_240] : memref<2x1600x32xf32, #tpu.memory_space<vmem>> -> memref<1x1600x32xf32, #tpu.memory_space<vmem>>
    %dma_wait3A_242 = tpu.memref_squeeze %dma_wait3A_241 : memref<1x1600x32xf32, #tpu.memory_space<vmem>> -> memref<1600x32xf32, #tpu.memory_space<vmem>>
    %dma_wait3A_243 = arith.constant 0 : i32
    %dma_wait3A_244 = tpu.memref_slice %arg4[%add3A_224, %dma_wait3A_243] : memref<819200x128xf32, #tpu.memory_space<hbm>> -> memref<1600x32xf32, #tpu.memory_space<hbm>>
    %dma_wait3A_245 = arith.constant 0 : i32
    %dma_wait3A_246 = tpu.memref_slice %arg4[%add3A_224, %dma_wait3A_245] : memref<819200x128xf32, #tpu.memory_space<hbm>> -> memref<1600x32xf32, #tpu.memory_space<hbm>>
    %dma_wait3A_247 = arith.constant 0 : i32
    %dma_wait3A_248 = arith.constant 0 : i32
    %dma_wait3A_249 = tpu.memref_slice %arg6[%dma_wait3A_238, %dma_wait3A_247, %dma_wait3A_248] : memref<2x1600x32xf32, #tpu.memory_space<vmem>> -> memref<1x1600x32xf32, #tpu.memory_space<vmem>>
    %dma_wait3A_250 = tpu.memref_squeeze %dma_wait3A_249 : memref<1x1600x32xf32, #tpu.memory_space<vmem>> -> memref<1600x32xf32, #tpu.memory_space<vmem>>
    tpu.wait_dma2 semaphore(%arg9 : memref<!tpu.dma_semaphore, #tpu.memory_space<semaphore_mem>>) src(%dma_wait3A_250 : memref<1600x32xf32, #tpu.memory_space<vmem>>) dst(%dma_wait3A_246 : memref<1600x32xf32, #tpu.memory_space<hbm>>)
    %dma_start3A_251 = arith.constant 0 : i32
    %dma_start3A_252 = arith.constant 0 : i32
    %dma_start3A_253 = arith.constant 0 : i32
    %dma_start3A_254 = tpu.memref_slice %arg6[%dma_start3A_251, %dma_start3A_252, %dma_start3A_253] : memref<2x1600x32xf32, #tpu.memory_space<vmem>> -> memref<1x1600x32xf32, #tpu.memory_space<vmem>>
    %dma_start3A_255 = tpu.memref_squeeze %dma_start3A_254 : memref<1x1600x32xf32, #tpu.memory_space<vmem>> -> memref<1600x32xf32, #tpu.memory_space<vmem>>
    %dma_start3A_256 = arith.constant 9600 : i32
    %dma_start3A_257 = tpu.memref_slice %arg5[%dma_start3A_256] : memref<25600xi32, #tpu.memory_space<vmem>> -> memref<1600xi32, #tpu.memory_space<vmem>>
    %dma_start3A_258 = arith.constant 0 : i32
    %dma_start3A_259 = arith.constant 0 : i32
    %dma_start3A_260 = tpu.memref_slice %arg3[%dma_start3A_258, %dma_start3A_259] : memref<1000000x32xf32, #tpu.memory_space<hbm>> -> memref<1000000x32xf32, #tpu.memory_space<hbm>>
    tpu.enqueue_indirect_dma source(%dma_start3A_260 : memref<1000000x32xf32, #tpu.memory_space<hbm>>) target(%dma_start3A_255 : memref<1600x32xf32, #tpu.memory_space<vmem>>) offsets(%dma_start3A_257 : memref<1600xi32, #tpu.memory_space<vmem>>) semaphore(%arg7 : memref<!tpu.dma_semaphore, #tpu.memory_space<semaphore_mem>>)
    %dma_wait3A_261 = arith.constant 1 : i32
    %dma_wait3A_262 = arith.constant 0 : i32
    %dma_wait3A_263 = arith.constant 0 : i32
    %dma_wait3A_264 = tpu.memref_slice %arg6[%dma_wait3A_261, %dma_wait3A_262, %dma_wait3A_263] : memref<2x1600x32xf32, #tpu.memory_space<vmem>> -> memref<1x1600x32xf32, #tpu.memory_space<vmem>>
    %dma_wait3A_265 = tpu.memref_squeeze %dma_wait3A_264 : memref<1x1600x32xf32, #tpu.memory_space<vmem>> -> memref<1600x32xf32, #tpu.memory_space<vmem>>
    %dma_wait3A_266 = arith.constant 8000 : i32
    %dma_wait3A_267 = tpu.memref_slice %arg5[%dma_wait3A_266] : memref<25600xi32, #tpu.memory_space<vmem>> -> memref<1600xi32, #tpu.memory_space<vmem>>
    %dma_wait3A_268 = arith.constant 0 : i32
    %dma_wait3A_269 = arith.constant 0 : i32
    %dma_wait3A_270 = tpu.memref_slice %arg3[%dma_wait3A_268, %dma_wait3A_269] : memref<1000000x32xf32, #tpu.memory_space<hbm>> -> memref<1000000x32xf32, #tpu.memory_space<hbm>>
    tpu.wait_indirect_dma semaphore(%arg8 : memref<!tpu.dma_semaphore, #tpu.memory_space<semaphore_mem>>) src(%dma_wait3A_270 : memref<1000000x32xf32, #tpu.memory_space<hbm>>) dst(%dma_wait3A_265 : memref<1600x32xf32, #tpu.memory_space<vmem>>)
    %add3A_271 = arith.constant 8000 : i32
    %add3A_272 = arith.addi %mul3A_2, %add3A_271 : i32
    %dma_start3A_273 = arith.constant 1 : i32
    %dma_start3A_274 = arith.constant 0 : i32
    %dma_start3A_275 = arith.constant 0 : i32
    %dma_start3A_276 = tpu.memref_slice %arg6[%dma_start3A_273, %dma_start3A_274, %dma_start3A_275] : memref<2x1600x32xf32, #tpu.memory_space<vmem>> -> memref<1x1600x32xf32, #tpu.memory_space<vmem>>
    %dma_start3A_277 = tpu.memref_squeeze %dma_start3A_276 : memref<1x1600x32xf32, #tpu.memory_space<vmem>> -> memref<1600x32xf32, #tpu.memory_space<vmem>>
    %dma_start3A_278 = arith.constant 0 : i32
    %dma_start3A_279 = tpu.memref_slice %arg4[%add3A_272, %dma_start3A_278] : memref<819200x128xf32, #tpu.memory_space<hbm>> -> memref<1600x32xf32, #tpu.memory_space<hbm>>
    %dma_start3A_280 = arith.constant 0 : i32
    %dma_start3A_281 = tpu.memref_slice %arg4[%add3A_272, %dma_start3A_280] : memref<819200x128xf32, #tpu.memory_space<hbm>> -> memref<1600x32xf32, #tpu.memory_space<hbm>>
    %dma_start3A_282 = arith.constant 0 : i32
    %dma_start3A_283 = arith.constant 0 : i32
    %dma_start3A_284 = tpu.memref_slice %arg6[%dma_start3A_273, %dma_start3A_282, %dma_start3A_283] : memref<2x1600x32xf32, #tpu.memory_space<vmem>> -> memref<1x1600x32xf32, #tpu.memory_space<vmem>>
    %dma_start3A_285 = tpu.memref_squeeze %dma_start3A_284 : memref<1x1600x32xf32, #tpu.memory_space<vmem>> -> memref<1600x32xf32, #tpu.memory_space<vmem>>
    tpu.enqueue_dma source(%dma_start3A_285 : memref<1600x32xf32, #tpu.memory_space<vmem>>) target(%dma_start3A_281 : memref<1600x32xf32, #tpu.memory_space<hbm>>) target_semaphore(%arg10 : memref<!tpu.dma_semaphore, #tpu.memory_space<semaphore_mem>>)
    %dma_wait3A_286 = arith.constant 1 : i32
    %dma_wait3A_287 = arith.constant 0 : i32
    %dma_wait3A_288 = arith.constant 0 : i32
    %dma_wait3A_289 = tpu.memref_slice %arg6[%dma_wait3A_286, %dma_wait3A_287, %dma_wait3A_288] : memref<2x1600x32xf32, #tpu.memory_space<vmem>> -> memref<1x1600x32xf32, #tpu.memory_space<vmem>>
    %dma_wait3A_290 = tpu.memref_squeeze %dma_wait3A_289 : memref<1x1600x32xf32, #tpu.memory_space<vmem>> -> memref<1600x32xf32, #tpu.memory_space<vmem>>
    %dma_wait3A_291 = arith.constant 0 : i32
    %dma_wait3A_292 = tpu.memref_slice %arg4[%add3A_272, %dma_wait3A_291] : memref<819200x128xf32, #tpu.memory_space<hbm>> -> memref<1600x32xf32, #tpu.memory_space<hbm>>
    %dma_wait3A_293 = arith.constant 0 : i32
    %dma_wait3A_294 = tpu.memref_slice %arg4[%add3A_272, %dma_wait3A_293] : memref<819200x128xf32, #tpu.memory_space<hbm>> -> memref<1600x32xf32, #tpu.memory_space<hbm>>
    %dma_wait3A_295 = arith.constant 0 : i32
    %dma_wait3A_296 = arith.constant 0 : i32
    %dma_wait3A_297 = tpu.memref_slice %arg6[%dma_wait3A_286, %dma_wait3A_295, %dma_wait3A_296] : memref<2x1600x32xf32, #tpu.memory_space<vmem>> -> memref<1x1600x32xf32, #tpu.memory_space<vmem>>
    %dma_wait3A_298 = tpu.memref_squeeze %dma_wait3A_297 : memref<1x1600x32xf32, #tpu.memory_space<vmem>> -> memref<1600x32xf32, #tpu.memory_space<vmem>>
    tpu.wait_dma2 semaphore(%arg10 : memref<!tpu.dma_semaphore, #tpu.memory_space<semaphore_mem>>) src(%dma_wait3A_298 : memref<1600x32xf32, #tpu.memory_space<vmem>>) dst(%dma_wait3A_294 : memref<1600x32xf32, #tpu.memory_space<hbm>>)
    %dma_start3A_299 = arith.constant 1 : i32
    %dma_start3A_300 = arith.constant 0 : i32
    %dma_start3A_301 = arith.constant 0 : i32
    %dma_start3A_302 = tpu.memref_slice %arg6[%dma_start3A_299, %dma_start3A_300, %dma_start3A_301] : memref<2x1600x32xf32, #tpu.memory_space<vmem>> -> memref<1x1600x32xf32, #tpu.memory_space<vmem>>
    %dma_start3A_303 = tpu.memref_squeeze %dma_start3A_302 : memref<1x1600x32xf32, #tpu.memory_space<vmem>> -> memref<1600x32xf32, #tpu.memory_space<vmem>>
    %dma_start3A_304 = arith.constant 11200 : i32
    %dma_start3A_305 = tpu.memref_slice %arg5[%dma_start3A_304] : memref<25600xi32, #tpu.memory_space<vmem>> -> memref<1600xi32, #tpu.memory_space<vmem>>
    %dma_start3A_306 = arith.constant 0 : i32
    %dma_start3A_307 = arith.constant 0 : i32
    %dma_start3A_308 = tpu.memref_slice %arg3[%dma_start3A_306, %dma_start3A_307] : memref<1000000x32xf32, #tpu.memory_space<hbm>> -> memref<1000000x32xf32, #tpu.memory_space<hbm>>
    tpu.enqueue_indirect_dma source(%dma_start3A_308 : memref<1000000x32xf32, #tpu.memory_space<hbm>>) target(%dma_start3A_303 : memref<1600x32xf32, #tpu.memory_space<vmem>>) offsets(%dma_start3A_305 : memref<1600xi32, #tpu.memory_space<vmem>>) semaphore(%arg8 : memref<!tpu.dma_semaphore, #tpu.memory_space<semaphore_mem>>)
    %dma_wait3A_309 = arith.constant 0 : i32
    %dma_wait3A_310 = arith.constant 0 : i32
    %dma_wait3A_311 = arith.constant 0 : i32
    %dma_wait3A_312 = tpu.memref_slice %arg6[%dma_wait3A_309, %dma_wait3A_310, %dma_wait3A_311] : memref<2x1600x32xf32, #tpu.memory_space<vmem>> -> memref<1x1600x32xf32, #tpu.memory_space<vmem>>
    %dma_wait3A_313 = tpu.memref_squeeze %dma_wait3A_312 : memref<1x1600x32xf32, #tpu.memory_space<vmem>> -> memref<1600x32xf32, #tpu.memory_space<vmem>>
    %dma_wait3A_314 = arith.constant 9600 : i32
    %dma_wait3A_315 = tpu.memref_slice %arg5[%dma_wait3A_314] : memref<25600xi32, #tpu.memory_space<vmem>> -> memref<1600xi32, #tpu.memory_space<vmem>>
    %dma_wait3A_316 = arith.constant 0 : i32
    %dma_wait3A_317 = arith.constant 0 : i32
    %dma_wait3A_318 = tpu.memref_slice %arg3[%dma_wait3A_316, %dma_wait3A_317] : memref<1000000x32xf32, #tpu.memory_space<hbm>> -> memref<1000000x32xf32, #tpu.memory_space<hbm>>
    tpu.wait_indirect_dma semaphore(%arg7 : memref<!tpu.dma_semaphore, #tpu.memory_space<semaphore_mem>>) src(%dma_wait3A_318 : memref<1000000x32xf32, #tpu.memory_space<hbm>>) dst(%dma_wait3A_313 : memref<1600x32xf32, #tpu.memory_space<vmem>>)
    %add3A_319 = arith.constant 9600 : i32
    %add3A_320 = arith.addi %mul3A_2, %add3A_319 : i32
    %dma_start3A_321 = arith.constant 0 : i32
    %dma_start3A_322 = arith.constant 0 : i32
    %dma_start3A_323 = arith.constant 0 : i32
    %dma_start3A_324 = tpu.memref_slice %arg6[%dma_start3A_321, %dma_start3A_322, %dma_start3A_323] : memref<2x1600x32xf32, #tpu.memory_space<vmem>> -> memref<1x1600x32xf32, #tpu.memory_space<vmem>>
    %dma_start3A_325 = tpu.memref_squeeze %dma_start3A_324 : memref<1x1600x32xf32, #tpu.memory_space<vmem>> -> memref<1600x32xf32, #tpu.memory_space<vmem>>
    %dma_start3A_326 = arith.constant 0 : i32
    %dma_start3A_327 = tpu.memref_slice %arg4[%add3A_320, %dma_start3A_326] : memref<819200x128xf32, #tpu.memory_space<hbm>> -> memref<1600x32xf32, #tpu.memory_space<hbm>>
    %dma_start3A_328 = arith.constant 0 : i32
    %dma_start3A_329 = tpu.memref_slice %arg4[%add3A_320, %dma_start3A_328] : memref<819200x128xf32, #tpu.memory_space<hbm>> -> memref<1600x32xf32, #tpu.memory_space<hbm>>
    %dma_start3A_330 = arith.constant 0 : i32
    %dma_start3A_331 = arith.constant 0 : i32
    %dma_start3A_332 = tpu.memref_slice %arg6[%dma_start3A_321, %dma_start3A_330, %dma_start3A_331] : memref<2x1600x32xf32, #tpu.memory_space<vmem>> -> memref<1x1600x32xf32, #tpu.memory_space<vmem>>
    %dma_start3A_333 = tpu.memref_squeeze %dma_start3A_332 : memref<1x1600x32xf32, #tpu.memory_space<vmem>> -> memref<1600x32xf32, #tpu.memory_space<vmem>>
    tpu.enqueue_dma source(%dma_start3A_333 : memref<1600x32xf32, #tpu.memory_space<vmem>>) target(%dma_start3A_329 : memref<1600x32xf32, #tpu.memory_space<hbm>>) target_semaphore(%arg9 : memref<!tpu.dma_semaphore, #tpu.memory_space<semaphore_mem>>)
    %dma_wait3A_334 = arith.constant 0 : i32
    %dma_wait3A_335 = arith.constant 0 : i32
    %dma_wait3A_336 = arith.constant 0 : i32
    %dma_wait3A_337 = tpu.memref_slice %arg6[%dma_wait3A_334, %dma_wait3A_335, %dma_wait3A_336] : memref<2x1600x32xf32, #tpu.memory_space<vmem>> -> memref<1x1600x32xf32, #tpu.memory_space<vmem>>
    %dma_wait3A_338 = tpu.memref_squeeze %dma_wait3A_337 : memref<1x1600x32xf32, #tpu.memory_space<vmem>> -> memref<1600x32xf32, #tpu.memory_space<vmem>>
    %dma_wait3A_339 = arith.constant 0 : i32
    %dma_wait3A_340 = tpu.memref_slice %arg4[%add3A_320, %dma_wait3A_339] : memref<819200x128xf32, #tpu.memory_space<hbm>> -> memref<1600x32xf32, #tpu.memory_space<hbm>>
    %dma_wait3A_341 = arith.constant 0 : i32
    %dma_wait3A_342 = tpu.memref_slice %arg4[%add3A_320, %dma_wait3A_341] : memref<819200x128xf32, #tpu.memory_space<hbm>> -> memref<1600x32xf32, #tpu.memory_space<hbm>>
    %dma_wait3A_343 = arith.constant 0 : i32
    %dma_wait3A_344 = arith.constant 0 : i32
    %dma_wait3A_345 = tpu.memref_slice %arg6[%dma_wait3A_334, %dma_wait3A_343, %dma_wait3A_344] : memref<2x1600x32xf32, #tpu.memory_space<vmem>> -> memref<1x1600x32xf32, #tpu.memory_space<vmem>>
    %dma_wait3A_346 = tpu.memref_squeeze %dma_wait3A_345 : memref<1x1600x32xf32, #tpu.memory_space<vmem>> -> memref<1600x32xf32, #tpu.memory_space<vmem>>
    tpu.wait_dma2 semaphore(%arg9 : memref<!tpu.dma_semaphore, #tpu.memory_space<semaphore_mem>>) src(%dma_wait3A_346 : memref<1600x32xf32, #tpu.memory_space<vmem>>) dst(%dma_wait3A_342 : memref<1600x32xf32, #tpu.memory_space<hbm>>)
    %dma_start3A_347 = arith.constant 0 : i32
    %dma_start3A_348 = arith.constant 0 : i32
    %dma_start3A_349 = arith.constant 0 : i32
    %dma_start3A_350 = tpu.memref_slice %arg6[%dma_start3A_347, %dma_start3A_348, %dma_start3A_349] : memref<2x1600x32xf32, #tpu.memory_space<vmem>> -> memref<1x1600x32xf32, #tpu.memory_space<vmem>>
    %dma_start3A_351 = tpu.memref_squeeze %dma_start3A_350 : memref<1x1600x32xf32, #tpu.memory_space<vmem>> -> memref<1600x32xf32, #tpu.memory_space<vmem>>
    %dma_start3A_352 = arith.constant 12800 : i32
    %dma_start3A_353 = tpu.memref_slice %arg5[%dma_start3A_352] : memref<25600xi32, #tpu.memory_space<vmem>> -> memref<1600xi32, #tpu.memory_space<vmem>>
    %dma_start3A_354 = arith.constant 0 : i32
    %dma_start3A_355 = arith.constant 0 : i32
    %dma_start3A_356 = tpu.memref_slice %arg3[%dma_start3A_354, %dma_start3A_355] : memref<1000000x32xf32, #tpu.memory_space<hbm>> -> memref<1000000x32xf32, #tpu.memory_space<hbm>>
    tpu.enqueue_indirect_dma source(%dma_start3A_356 : memref<1000000x32xf32, #tpu.memory_space<hbm>>) target(%dma_start3A_351 : memref<1600x32xf32, #tpu.memory_space<vmem>>) offsets(%dma_start3A_353 : memref<1600xi32, #tpu.memory_space<vmem>>) semaphore(%arg7 : memref<!tpu.dma_semaphore, #tpu.memory_space<semaphore_mem>>)
    %dma_wait3A_357 = arith.constant 1 : i32
    %dma_wait3A_358 = arith.constant 0 : i32
    %dma_wait3A_359 = arith.constant 0 : i32
    %dma_wait3A_360 = tpu.memref_slice %arg6[%dma_wait3A_357, %dma_wait3A_358, %dma_wait3A_359] : memref<2x1600x32xf32, #tpu.memory_space<vmem>> -> memref<1x1600x32xf32, #tpu.memory_space<vmem>>
    %dma_wait3A_361 = tpu.memref_squeeze %dma_wait3A_360 : memref<1x1600x32xf32, #tpu.memory_space<vmem>> -> memref<1600x32xf32, #tpu.memory_space<vmem>>
    %dma_wait3A_362 = arith.constant 11200 : i32
    %dma_wait3A_363 = tpu.memref_slice %arg5[%dma_wait3A_362] : memref<25600xi32, #tpu.memory_space<vmem>> -> memref<1600xi32, #tpu.memory_space<vmem>>
    %dma_wait3A_364 = arith.constant 0 : i32
    %dma_wait3A_365 = arith.constant 0 : i32
    %dma_wait3A_366 = tpu.memref_slice %arg3[%dma_wait3A_364, %dma_wait3A_365] : memref<1000000x32xf32, #tpu.memory_space<hbm>> -> memref<1000000x32xf32, #tpu.memory_space<hbm>>
    tpu.wait_indirect_dma semaphore(%arg8 : memref<!tpu.dma_semaphore, #tpu.memory_space<semaphore_mem>>) src(%dma_wait3A_366 : memref<1000000x32xf32, #tpu.memory_space<hbm>>) dst(%dma_wait3A_361 : memref<1600x32xf32, #tpu.memory_space<vmem>>)
    %add3A_367 = arith.constant 11200 : i32
    %add3A_368 = arith.addi %mul3A_2, %add3A_367 : i32
    %dma_start3A_369 = arith.constant 1 : i32
    %dma_start3A_370 = arith.constant 0 : i32
    %dma_start3A_371 = arith.constant 0 : i32
    %dma_start3A_372 = tpu.memref_slice %arg6[%dma_start3A_369, %dma_start3A_370, %dma_start3A_371] : memref<2x1600x32xf32, #tpu.memory_space<vmem>> -> memref<1x1600x32xf32, #tpu.memory_space<vmem>>
    %dma_start3A_373 = tpu.memref_squeeze %dma_start3A_372 : memref<1x1600x32xf32, #tpu.memory_space<vmem>> -> memref<1600x32xf32, #tpu.memory_space<vmem>>
    %dma_start3A_374 = arith.constant 0 : i32
    %dma_start3A_375 = tpu.memref_slice %arg4[%add3A_368, %dma_start3A_374] : memref<819200x128xf32, #tpu.memory_space<hbm>> -> memref<1600x32xf32, #tpu.memory_space<hbm>>
    %dma_start3A_376 = arith.constant 0 : i32
    %dma_start3A_377 = tpu.memref_slice %arg4[%add3A_368, %dma_start3A_376] : memref<819200x128xf32, #tpu.memory_space<hbm>> -> memref<1600x32xf32, #tpu.memory_space<hbm>>
    %dma_start3A_378 = arith.constant 0 : i32
    %dma_start3A_379 = arith.constant 0 : i32
    %dma_start3A_380 = tpu.memref_slice %arg6[%dma_start3A_369, %dma_start3A_378, %dma_start3A_379] : memref<2x1600x32xf32, #tpu.memory_space<vmem>> -> memref<1x1600x32xf32, #tpu.memory_space<vmem>>
    %dma_start3A_381 = tpu.memref_squeeze %dma_start3A_380 : memref<1x1600x32xf32, #tpu.memory_space<vmem>> -> memref<1600x32xf32, #tpu.memory_space<vmem>>
    tpu.enqueue_dma source(%dma_start3A_381 : memref<1600x32xf32, #tpu.memory_space<vmem>>) target(%dma_start3A_377 : memref<1600x32xf32, #tpu.memory_space<hbm>>) target_semaphore(%arg10 : memref<!tpu.dma_semaphore, #tpu.memory_space<semaphore_mem>>)
    %dma_wait3A_382 = arith.constant 1 : i32
    %dma_wait3A_383 = arith.constant 0 : i32
    %dma_wait3A_384 = arith.constant 0 : i32
    %dma_wait3A_385 = tpu.memref_slice %arg6[%dma_wait3A_382, %dma_wait3A_383, %dma_wait3A_384] : memref<2x1600x32xf32, #tpu.memory_space<vmem>> -> memref<1x1600x32xf32, #tpu.memory_space<vmem>>
    %dma_wait3A_386 = tpu.memref_squeeze %dma_wait3A_385 : memref<1x1600x32xf32, #tpu.memory_space<vmem>> -> memref<1600x32xf32, #tpu.memory_space<vmem>>
    %dma_wait3A_387 = arith.constant 0 : i32
    %dma_wait3A_388 = tpu.memref_slice %arg4[%add3A_368, %dma_wait3A_387] : memref<819200x128xf32, #tpu.memory_space<hbm>> -> memref<1600x32xf32, #tpu.memory_space<hbm>>
    %dma_wait3A_389 = arith.constant 0 : i32
    %dma_wait3A_390 = tpu.memref_slice %arg4[%add3A_368, %dma_wait3A_389] : memref<819200x128xf32, #tpu.memory_space<hbm>> -> memref<1600x32xf32, #tpu.memory_space<hbm>>
    %dma_wait3A_391 = arith.constant 0 : i32
    %dma_wait3A_392 = arith.constant 0 : i32
    %dma_wait3A_393 = tpu.memref_slice %arg6[%dma_wait3A_382, %dma_wait3A_391, %dma_wait3A_392] : memref<2x1600x32xf32, #tpu.memory_space<vmem>> -> memref<1x1600x32xf32, #tpu.memory_space<vmem>>
    %dma_wait3A_394 = tpu.memref_squeeze %dma_wait3A_393 : memref<1x1600x32xf32, #tpu.memory_space<vmem>> -> memref<1600x32xf32, #tpu.memory_space<vmem>>
    tpu.wait_dma2 semaphore(%arg10 : memref<!tpu.dma_semaphore, #tpu.memory_space<semaphore_mem>>) src(%dma_wait3A_394 : memref<1600x32xf32, #tpu.memory_space<vmem>>) dst(%dma_wait3A_390 : memref<1600x32xf32, #tpu.memory_space<hbm>>)
    %dma_start3A_395 = arith.constant 1 : i32
    %dma_start3A_396 = arith.constant 0 : i32
    %dma_start3A_397 = arith.constant 0 : i32
    %dma_start3A_398 = tpu.memref_slice %arg6[%dma_start3A_395, %dma_start3A_396, %dma_start3A_397] : memref<2x1600x32xf32, #tpu.memory_space<vmem>> -> memref<1x1600x32xf32, #tpu.memory_space<vmem>>
    %dma_start3A_399 = tpu.memref_squeeze %dma_start3A_398 : memref<1x1600x32xf32, #tpu.memory_space<vmem>> -> memref<1600x32xf32, #tpu.memory_space<vmem>>
    %dma_start3A_400 = arith.constant 14400 : i32
    %dma_start3A_401 = tpu.memref_slice %arg5[%dma_start3A_400] : memref<25600xi32, #tpu.memory_space<vmem>> -> memref<1600xi32, #tpu.memory_space<vmem>>
    %dma_start3A_402 = arith.constant 0 : i32
    %dma_start3A_403 = arith.constant 0 : i32
    %dma_start3A_404 = tpu.memref_slice %arg3[%dma_start3A_402, %dma_start3A_403] : memref<1000000x32xf32, #tpu.memory_space<hbm>> -> memref<1000000x32xf32, #tpu.memory_space<hbm>>
    tpu.enqueue_indirect_dma source(%dma_start3A_404 : memref<1000000x32xf32, #tpu.memory_space<hbm>>) target(%dma_start3A_399 : memref<1600x32xf32, #tpu.memory_space<vmem>>) offsets(%dma_start3A_401 : memref<1600xi32, #tpu.memory_space<vmem>>) semaphore(%arg8 : memref<!tpu.dma_semaphore, #tpu.memory_space<semaphore_mem>>)
    %dma_wait3A_405 = arith.constant 0 : i32
    %dma_wait3A_406 = arith.constant 0 : i32
    %dma_wait3A_407 = arith.constant 0 : i32
    %dma_wait3A_408 = tpu.memref_slice %arg6[%dma_wait3A_405, %dma_wait3A_406, %dma_wait3A_407] : memref<2x1600x32xf32, #tpu.memory_space<vmem>> -> memref<1x1600x32xf32, #tpu.memory_space<vmem>>
    %dma_wait3A_409 = tpu.memref_squeeze %dma_wait3A_408 : memref<1x1600x32xf32, #tpu.memory_space<vmem>> -> memref<1600x32xf32, #tpu.memory_space<vmem>>
    %dma_wait3A_410 = arith.constant 12800 : i32
    %dma_wait3A_411 = tpu.memref_slice %arg5[%dma_wait3A_410] : memref<25600xi32, #tpu.memory_space<vmem>> -> memref<1600xi32, #tpu.memory_space<vmem>>
    %dma_wait3A_412 = arith.constant 0 : i32
    %dma_wait3A_413 = arith.constant 0 : i32
    %dma_wait3A_414 = tpu.memref_slice %arg3[%dma_wait3A_412, %dma_wait3A_413] : memref<1000000x32xf32, #tpu.memory_space<hbm>> -> memref<1000000x32xf32, #tpu.memory_space<hbm>>
    tpu.wait_indirect_dma semaphore(%arg7 : memref<!tpu.dma_semaphore, #tpu.memory_space<semaphore_mem>>) src(%dma_wait3A_414 : memref<1000000x32xf32, #tpu.memory_space<hbm>>) dst(%dma_wait3A_409 : memref<1600x32xf32, #tpu.memory_space<vmem>>)
    %add3A_415 = arith.constant 12800 : i32
    %add3A_416 = arith.addi %mul3A_2, %add3A_415 : i32
    %dma_start3A_417 = arith.constant 0 : i32
    %dma_start3A_418 = arith.constant 0 : i32
    %dma_start3A_419 = arith.constant 0 : i32
    %dma_start3A_420 = tpu.memref_slice %arg6[%dma_start3A_417, %dma_start3A_418, %dma_start3A_419] : memref<2x1600x32xf32, #tpu.memory_space<vmem>> -> memref<1x1600x32xf32, #tpu.memory_space<vmem>>
    %dma_start3A_421 = tpu.memref_squeeze %dma_start3A_420 : memref<1x1600x32xf32, #tpu.memory_space<vmem>> -> memref<1600x32xf32, #tpu.memory_space<vmem>>
    %dma_start3A_422 = arith.constant 0 : i32
    %dma_start3A_423 = tpu.memref_slice %arg4[%add3A_416, %dma_start3A_422] : memref<819200x128xf32, #tpu.memory_space<hbm>> -> memref<1600x32xf32, #tpu.memory_space<hbm>>
    %dma_start3A_424 = arith.constant 0 : i32
    %dma_start3A_425 = tpu.memref_slice %arg4[%add3A_416, %dma_start3A_424] : memref<819200x128xf32, #tpu.memory_space<hbm>> -> memref<1600x32xf32, #tpu.memory_space<hbm>>
    %dma_start3A_426 = arith.constant 0 : i32
    %dma_start3A_427 = arith.constant 0 : i32
    %dma_start3A_428 = tpu.memref_slice %arg6[%dma_start3A_417, %dma_start3A_426, %dma_start3A_427] : memref<2x1600x32xf32, #tpu.memory_space<vmem>> -> memref<1x1600x32xf32, #tpu.memory_space<vmem>>
    %dma_start3A_429 = tpu.memref_squeeze %dma_start3A_428 : memref<1x1600x32xf32, #tpu.memory_space<vmem>> -> memref<1600x32xf32, #tpu.memory_space<vmem>>
    tpu.enqueue_dma source(%dma_start3A_429 : memref<1600x32xf32, #tpu.memory_space<vmem>>) target(%dma_start3A_425 : memref<1600x32xf32, #tpu.memory_space<hbm>>) target_semaphore(%arg9 : memref<!tpu.dma_semaphore, #tpu.memory_space<semaphore_mem>>)
    %dma_wait3A_430 = arith.constant 0 : i32
    %dma_wait3A_431 = arith.constant 0 : i32
    %dma_wait3A_432 = arith.constant 0 : i32
    %dma_wait3A_433 = tpu.memref_slice %arg6[%dma_wait3A_430, %dma_wait3A_431, %dma_wait3A_432] : memref<2x1600x32xf32, #tpu.memory_space<vmem>> -> memref<1x1600x32xf32, #tpu.memory_space<vmem>>
    %dma_wait3A_434 = tpu.memref_squeeze %dma_wait3A_433 : memref<1x1600x32xf32, #tpu.memory_space<vmem>> -> memref<1600x32xf32, #tpu.memory_space<vmem>>
    %dma_wait3A_435 = arith.constant 0 : i32
    %dma_wait3A_436 = tpu.memref_slice %arg4[%add3A_416, %dma_wait3A_435] : memref<819200x128xf32, #tpu.memory_space<hbm>> -> memref<1600x32xf32, #tpu.memory_space<hbm>>
    %dma_wait3A_437 = arith.constant 0 : i32
    %dma_wait3A_438 = tpu.memref_slice %arg4[%add3A_416, %dma_wait3A_437] : memref<819200x128xf32, #tpu.memory_space<hbm>> -> memref<1600x32xf32, #tpu.memory_space<hbm>>
    %dma_wait3A_439 = arith.constant 0 : i32
    %dma_wait3A_440 = arith.constant 0 : i32
    %dma_wait3A_441 = tpu.memref_slice %arg6[%dma_wait3A_430, %dma_wait3A_439, %dma_wait3A_440] : memref<2x1600x32xf32, #tpu.memory_space<vmem>> -> memref<1x1600x32xf32, #tpu.memory_space<vmem>>
    %dma_wait3A_442 = tpu.memref_squeeze %dma_wait3A_441 : memref<1x1600x32xf32, #tpu.memory_space<vmem>> -> memref<1600x32xf32, #tpu.memory_space<vmem>>
    tpu.wait_dma2 semaphore(%arg9 : memref<!tpu.dma_semaphore, #tpu.memory_space<semaphore_mem>>) src(%dma_wait3A_442 : memref<1600x32xf32, #tpu.memory_space<vmem>>) dst(%dma_wait3A_438 : memref<1600x32xf32, #tpu.memory_space<hbm>>)
    %dma_start3A_443 = arith.constant 0 : i32
    %dma_start3A_444 = arith.constant 0 : i32
    %dma_start3A_445 = arith.constant 0 : i32
    %dma_start3A_446 = tpu.memref_slice %arg6[%dma_start3A_443, %dma_start3A_444, %dma_start3A_445] : memref<2x1600x32xf32, #tpu.memory_space<vmem>> -> memref<1x1600x32xf32, #tpu.memory_space<vmem>>
    %dma_start3A_447 = tpu.memref_squeeze %dma_start3A_446 : memref<1x1600x32xf32, #tpu.memory_space<vmem>> -> memref<1600x32xf32, #tpu.memory_space<vmem>>
    %dma_start3A_448 = arith.constant 16000 : i32
    %dma_start3A_449 = tpu.memref_slice %arg5[%dma_start3A_448] : memref<25600xi32, #tpu.memory_space<vmem>> -> memref<1600xi32, #tpu.memory_space<vmem>>
    %dma_start3A_450 = arith.constant 0 : i32
    %dma_start3A_451 = arith.constant 0 : i32
    %dma_start3A_452 = tpu.memref_slice %arg3[%dma_start3A_450, %dma_start3A_451] : memref<1000000x32xf32, #tpu.memory_space<hbm>> -> memref<1000000x32xf32, #tpu.memory_space<hbm>>
    tpu.enqueue_indirect_dma source(%dma_start3A_452 : memref<1000000x32xf32, #tpu.memory_space<hbm>>) target(%dma_start3A_447 : memref<1600x32xf32, #tpu.memory_space<vmem>>) offsets(%dma_start3A_449 : memref<1600xi32, #tpu.memory_space<vmem>>) semaphore(%arg7 : memref<!tpu.dma_semaphore, #tpu.memory_space<semaphore_mem>>)
    %dma_wait3A_453 = arith.constant 1 : i32
    %dma_wait3A_454 = arith.constant 0 : i32
    %dma_wait3A_455 = arith.constant 0 : i32
    %dma_wait3A_456 = tpu.memref_slice %arg6[%dma_wait3A_453, %dma_wait3A_454, %dma_wait3A_455] : memref<2x1600x32xf32, #tpu.memory_space<vmem>> -> memref<1x1600x32xf32, #tpu.memory_space<vmem>>
    %dma_wait3A_457 = tpu.memref_squeeze %dma_wait3A_456 : memref<1x1600x32xf32, #tpu.memory_space<vmem>> -> memref<1600x32xf32, #tpu.memory_space<vmem>>
    %dma_wait3A_458 = arith.constant 14400 : i32
    %dma_wait3A_459 = tpu.memref_slice %arg5[%dma_wait3A_458] : memref<25600xi32, #tpu.memory_space<vmem>> -> memref<1600xi32, #tpu.memory_space<vmem>>
    %dma_wait3A_460 = arith.constant 0 : i32
    %dma_wait3A_461 = arith.constant 0 : i32
    %dma_wait3A_462 = tpu.memref_slice %arg3[%dma_wait3A_460, %dma_wait3A_461] : memref<1000000x32xf32, #tpu.memory_space<hbm>> -> memref<1000000x32xf32, #tpu.memory_space<hbm>>
    tpu.wait_indirect_dma semaphore(%arg8 : memref<!tpu.dma_semaphore, #tpu.memory_space<semaphore_mem>>) src(%dma_wait3A_462 : memref<1000000x32xf32, #tpu.memory_space<hbm>>) dst(%dma_wait3A_457 : memref<1600x32xf32, #tpu.memory_space<vmem>>)
    %add3A_463 = arith.constant 14400 : i32
    %add3A_464 = arith.addi %mul3A_2, %add3A_463 : i32
    %dma_start3A_465 = arith.constant 1 : i32
    %dma_start3A_466 = arith.constant 0 : i32
    %dma_start3A_467 = arith.constant 0 : i32
    %dma_start3A_468 = tpu.memref_slice %arg6[%dma_start3A_465, %dma_start3A_466, %dma_start3A_467] : memref<2x1600x32xf32, #tpu.memory_space<vmem>> -> memref<1x1600x32xf32, #tpu.memory_space<vmem>>
    %dma_start3A_469 = tpu.memref_squeeze %dma_start3A_468 : memref<1x1600x32xf32, #tpu.memory_space<vmem>> -> memref<1600x32xf32, #tpu.memory_space<vmem>>
    %dma_start3A_470 = arith.constant 0 : i32
    %dma_start3A_471 = tpu.memref_slice %arg4[%add3A_464, %dma_start3A_470] : memref<819200x128xf32, #tpu.memory_space<hbm>> -> memref<1600x32xf32, #tpu.memory_space<hbm>>
    %dma_start3A_472 = arith.constant 0 : i32
    %dma_start3A_473 = tpu.memref_slice %arg4[%add3A_464, %dma_start3A_472] : memref<819200x128xf32, #tpu.memory_space<hbm>> -> memref<1600x32xf32, #tpu.memory_space<hbm>>
    %dma_start3A_474 = arith.constant 0 : i32
    %dma_start3A_475 = arith.constant 0 : i32
    %dma_start3A_476 = tpu.memref_slice %arg6[%dma_start3A_465, %dma_start3A_474, %dma_start3A_475] : memref<2x1600x32xf32, #tpu.memory_space<vmem>> -> memref<1x1600x32xf32, #tpu.memory_space<vmem>>
    %dma_start3A_477 = tpu.memref_squeeze %dma_start3A_476 : memref<1x1600x32xf32, #tpu.memory_space<vmem>> -> memref<1600x32xf32, #tpu.memory_space<vmem>>
    tpu.enqueue_dma source(%dma_start3A_477 : memref<1600x32xf32, #tpu.memory_space<vmem>>) target(%dma_start3A_473 : memref<1600x32xf32, #tpu.memory_space<hbm>>) target_semaphore(%arg10 : memref<!tpu.dma_semaphore, #tpu.memory_space<semaphore_mem>>)
    %dma_wait3A_478 = arith.constant 1 : i32
    %dma_wait3A_479 = arith.constant 0 : i32
    %dma_wait3A_480 = arith.constant 0 : i32
    %dma_wait3A_481 = tpu.memref_slice %arg6[%dma_wait3A_478, %dma_wait3A_479, %dma_wait3A_480] : memref<2x1600x32xf32, #tpu.memory_space<vmem>> -> memref<1x1600x32xf32, #tpu.memory_space<vmem>>
    %dma_wait3A_482 = tpu.memref_squeeze %dma_wait3A_481 : memref<1x1600x32xf32, #tpu.memory_space<vmem>> -> memref<1600x32xf32, #tpu.memory_space<vmem>>
    %dma_wait3A_483 = arith.constant 0 : i32
    %dma_wait3A_484 = tpu.memref_slice %arg4[%add3A_464, %dma_wait3A_483] : memref<819200x128xf32, #tpu.memory_space<hbm>> -> memref<1600x32xf32, #tpu.memory_space<hbm>>
    %dma_wait3A_485 = arith.constant 0 : i32
    %dma_wait3A_486 = tpu.memref_slice %arg4[%add3A_464, %dma_wait3A_485] : memref<819200x128xf32, #tpu.memory_space<hbm>> -> memref<1600x32xf32, #tpu.memory_space<hbm>>
    %dma_wait3A_487 = arith.constant 0 : i32
    %dma_wait3A_488 = arith.constant 0 : i32
    %dma_wait3A_489 = tpu.memref_slice %arg6[%dma_wait3A_478, %dma_wait3A_487, %dma_wait3A_488] : memref<2x1600x32xf32, #tpu.memory_space<vmem>> -> memref<1x1600x32xf32, #tpu.memory_space<vmem>>
    %dma_wait3A_490 = tpu.memref_squeeze %dma_wait3A_489 : memref<1x1600x32xf32, #tpu.memory_space<vmem>> -> memref<1600x32xf32, #tpu.memory_space<vmem>>
    tpu.wait_dma2 semaphore(%arg10 : memref<!tpu.dma_semaphore, #tpu.memory_space<semaphore_mem>>) src(%dma_wait3A_490 : memref<1600x32xf32, #tpu.memory_space<vmem>>) dst(%dma_wait3A_486 : memref<1600x32xf32, #tpu.memory_space<hbm>>)
    %dma_start3A_491 = arith.constant 1 : i32
    %dma_start3A_492 = arith.constant 0 : i32
    %dma_start3A_493 = arith.constant 0 : i32
    %dma_start3A_494 = tpu.memref_slice %arg6[%dma_start3A_491, %dma_start3A_492, %dma_start3A_493] : memref<2x1600x32xf32, #tpu.memory_space<vmem>> -> memref<1x1600x32xf32, #tpu.memory_space<vmem>>
    %dma_start3A_495 = tpu.memref_squeeze %dma_start3A_494 : memref<1x1600x32xf32, #tpu.memory_space<vmem>> -> memref<1600x32xf32, #tpu.memory_space<vmem>>
    %dma_start3A_496 = arith.constant 17600 : i32
    %dma_start3A_497 = tpu.memref_slice %arg5[%dma_start3A_496] : memref<25600xi32, #tpu.memory_space<vmem>> -> memref<1600xi32, #tpu.memory_space<vmem>>
    %dma_start3A_498 = arith.constant 0 : i32
    %dma_start3A_499 = arith.constant 0 : i32
    %dma_start3A_500 = tpu.memref_slice %arg3[%dma_start3A_498, %dma_start3A_499] : memref<1000000x32xf32, #tpu.memory_space<hbm>> -> memref<1000000x32xf32, #tpu.memory_space<hbm>>
    tpu.enqueue_indirect_dma source(%dma_start3A_500 : memref<1000000x32xf32, #tpu.memory_space<hbm>>) target(%dma_start3A_495 : memref<1600x32xf32, #tpu.memory_space<vmem>>) offsets(%dma_start3A_497 : memref<1600xi32, #tpu.memory_space<vmem>>) semaphore(%arg8 : memref<!tpu.dma_semaphore, #tpu.memory_space<semaphore_mem>>)
    %dma_wait3A_501 = arith.constant 0 : i32
    %dma_wait3A_502 = arith.constant 0 : i32
    %dma_wait3A_503 = arith.constant 0 : i32
    %dma_wait3A_504 = tpu.memref_slice %arg6[%dma_wait3A_501, %dma_wait3A_502, %dma_wait3A_503] : memref<2x1600x32xf32, #tpu.memory_space<vmem>> -> memref<1x1600x32xf32, #tpu.memory_space<vmem>>
    %dma_wait3A_505 = tpu.memref_squeeze %dma_wait3A_504 : memref<1x1600x32xf32, #tpu.memory_space<vmem>> -> memref<1600x32xf32, #tpu.memory_space<vmem>>
    %dma_wait3A_506 = arith.constant 16000 : i32
    %dma_wait3A_507 = tpu.memref_slice %arg5[%dma_wait3A_506] : memref<25600xi32, #tpu.memory_space<vmem>> -> memref<1600xi32, #tpu.memory_space<vmem>>
    %dma_wait3A_508 = arith.constant 0 : i32
    %dma_wait3A_509 = arith.constant 0 : i32
    %dma_wait3A_510 = tpu.memref_slice %arg3[%dma_wait3A_508, %dma_wait3A_509] : memref<1000000x32xf32, #tpu.memory_space<hbm>> -> memref<1000000x32xf32, #tpu.memory_space<hbm>>
    tpu.wait_indirect_dma semaphore(%arg7 : memref<!tpu.dma_semaphore, #tpu.memory_space<semaphore_mem>>) src(%dma_wait3A_510 : memref<1000000x32xf32, #tpu.memory_space<hbm>>) dst(%dma_wait3A_505 : memref<1600x32xf32, #tpu.memory_space<vmem>>)
    %add3A_511 = arith.constant 16000 : i32
    %add3A_512 = arith.addi %mul3A_2, %add3A_511 : i32
    %dma_start3A_513 = arith.constant 0 : i32
    %dma_start3A_514 = arith.constant 0 : i32
    %dma_start3A_515 = arith.constant 0 : i32
    %dma_start3A_516 = tpu.memref_slice %arg6[%dma_start3A_513, %dma_start3A_514, %dma_start3A_515] : memref<2x1600x32xf32, #tpu.memory_space<vmem>> -> memref<1x1600x32xf32, #tpu.memory_space<vmem>>
    %dma_start3A_517 = tpu.memref_squeeze %dma_start3A_516 : memref<1x1600x32xf32, #tpu.memory_space<vmem>> -> memref<1600x32xf32, #tpu.memory_space<vmem>>
    %dma_start3A_518 = arith.constant 0 : i32
    %dma_start3A_519 = tpu.memref_slice %arg4[%add3A_512, %dma_start3A_518] : memref<819200x128xf32, #tpu.memory_space<hbm>> -> memref<1600x32xf32, #tpu.memory_space<hbm>>
    %dma_start3A_520 = arith.constant 0 : i32
    %dma_start3A_521 = tpu.memref_slice %arg4[%add3A_512, %dma_start3A_520] : memref<819200x128xf32, #tpu.memory_space<hbm>> -> memref<1600x32xf32, #tpu.memory_space<hbm>>
    %dma_start3A_522 = arith.constant 0 : i32
    %dma_start3A_523 = arith.constant 0 : i32
    %dma_start3A_524 = tpu.memref_slice %arg6[%dma_start3A_513, %dma_start3A_522, %dma_start3A_523] : memref<2x1600x32xf32, #tpu.memory_space<vmem>> -> memref<1x1600x32xf32, #tpu.memory_space<vmem>>
    %dma_start3A_525 = tpu.memref_squeeze %dma_start3A_524 : memref<1x1600x32xf32, #tpu.memory_space<vmem>> -> memref<1600x32xf32, #tpu.memory_space<vmem>>
    tpu.enqueue_dma source(%dma_start3A_525 : memref<1600x32xf32, #tpu.memory_space<vmem>>) target(%dma_start3A_521 : memref<1600x32xf32, #tpu.memory_space<hbm>>) target_semaphore(%arg9 : memref<!tpu.dma_semaphore, #tpu.memory_space<semaphore_mem>>)
    %dma_wait3A_526 = arith.constant 0 : i32
    %dma_wait3A_527 = arith.constant 0 : i32
    %dma_wait3A_528 = arith.constant 0 : i32
    %dma_wait3A_529 = tpu.memref_slice %arg6[%dma_wait3A_526, %dma_wait3A_527, %dma_wait3A_528] : memref<2x1600x32xf32, #tpu.memory_space<vmem>> -> memref<1x1600x32xf32, #tpu.memory_space<vmem>>
    %dma_wait3A_530 = tpu.memref_squeeze %dma_wait3A_529 : memref<1x1600x32xf32, #tpu.memory_space<vmem>> -> memref<1600x32xf32, #tpu.memory_space<vmem>>
    %dma_wait3A_531 = arith.constant 0 : i32
    %dma_wait3A_532 = tpu.memref_slice %arg4[%add3A_512, %dma_wait3A_531] : memref<819200x128xf32, #tpu.memory_space<hbm>> -> memref<1600x32xf32, #tpu.memory_space<hbm>>
    %dma_wait3A_533 = arith.constant 0 : i32
    %dma_wait3A_534 = tpu.memref_slice %arg4[%add3A_512, %dma_wait3A_533] : memref<819200x128xf32, #tpu.memory_space<hbm>> -> memref<1600x32xf32, #tpu.memory_space<hbm>>
    %dma_wait3A_535 = arith.constant 0 : i32
    %dma_wait3A_536 = arith.constant 0 : i32
    %dma_wait3A_537 = tpu.memref_slice %arg6[%dma_wait3A_526, %dma_wait3A_535, %dma_wait3A_536] : memref<2x1600x32xf32, #tpu.memory_space<vmem>> -> memref<1x1600x32xf32, #tpu.memory_space<vmem>>
    %dma_wait3A_538 = tpu.memref_squeeze %dma_wait3A_537 : memref<1x1600x32xf32, #tpu.memory_space<vmem>> -> memref<1600x32xf32, #tpu.memory_space<vmem>>
    tpu.wait_dma2 semaphore(%arg9 : memref<!tpu.dma_semaphore, #tpu.memory_space<semaphore_mem>>) src(%dma_wait3A_538 : memref<1600x32xf32, #tpu.memory_space<vmem>>) dst(%dma_wait3A_534 : memref<1600x32xf32, #tpu.memory_space<hbm>>)
    %dma_start3A_539 = arith.constant 0 : i32
    %dma_start3A_540 = arith.constant 0 : i32
    %dma_start3A_541 = arith.constant 0 : i32
    %dma_start3A_542 = tpu.memref_slice %arg6[%dma_start3A_539, %dma_start3A_540, %dma_start3A_541] : memref<2x1600x32xf32, #tpu.memory_space<vmem>> -> memref<1x1600x32xf32, #tpu.memory_space<vmem>>
    %dma_start3A_543 = tpu.memref_squeeze %dma_start3A_542 : memref<1x1600x32xf32, #tpu.memory_space<vmem>> -> memref<1600x32xf32, #tpu.memory_space<vmem>>
    %dma_start3A_544 = arith.constant 19200 : i32
    %dma_start3A_545 = tpu.memref_slice %arg5[%dma_start3A_544] : memref<25600xi32, #tpu.memory_space<vmem>> -> memref<1600xi32, #tpu.memory_space<vmem>>
    %dma_start3A_546 = arith.constant 0 : i32
    %dma_start3A_547 = arith.constant 0 : i32
    %dma_start3A_548 = tpu.memref_slice %arg3[%dma_start3A_546, %dma_start3A_547] : memref<1000000x32xf32, #tpu.memory_space<hbm>> -> memref<1000000x32xf32, #tpu.memory_space<hbm>>
    tpu.enqueue_indirect_dma source(%dma_start3A_548 : memref<1000000x32xf32, #tpu.memory_space<hbm>>) target(%dma_start3A_543 : memref<1600x32xf32, #tpu.memory_space<vmem>>) offsets(%dma_start3A_545 : memref<1600xi32, #tpu.memory_space<vmem>>) semaphore(%arg7 : memref<!tpu.dma_semaphore, #tpu.memory_space<semaphore_mem>>)
    %dma_wait3A_549 = arith.constant 1 : i32
    %dma_wait3A_550 = arith.constant 0 : i32
    %dma_wait3A_551 = arith.constant 0 : i32
    %dma_wait3A_552 = tpu.memref_slice %arg6[%dma_wait3A_549, %dma_wait3A_550, %dma_wait3A_551] : memref<2x1600x32xf32, #tpu.memory_space<vmem>> -> memref<1x1600x32xf32, #tpu.memory_space<vmem>>
    %dma_wait3A_553 = tpu.memref_squeeze %dma_wait3A_552 : memref<1x1600x32xf32, #tpu.memory_space<vmem>> -> memref<1600x32xf32, #tpu.memory_space<vmem>>
    %dma_wait3A_554 = arith.constant 17600 : i32
    %dma_wait3A_555 = tpu.memref_slice %arg5[%dma_wait3A_554] : memref<25600xi32, #tpu.memory_space<vmem>> -> memref<1600xi32, #tpu.memory_space<vmem>>
    %dma_wait3A_556 = arith.constant 0 : i32
    %dma_wait3A_557 = arith.constant 0 : i32
    %dma_wait3A_558 = tpu.memref_slice %arg3[%dma_wait3A_556, %dma_wait3A_557] : memref<1000000x32xf32, #tpu.memory_space<hbm>> -> memref<1000000x32xf32, #tpu.memory_space<hbm>>
    tpu.wait_indirect_dma semaphore(%arg8 : memref<!tpu.dma_semaphore, #tpu.memory_space<semaphore_mem>>) src(%dma_wait3A_558 : memref<1000000x32xf32, #tpu.memory_space<hbm>>) dst(%dma_wait3A_553 : memref<1600x32xf32, #tpu.memory_space<vmem>>)
    %add3A_559 = arith.constant 17600 : i32
    %add3A_560 = arith.addi %mul3A_2, %add3A_559 : i32
    %dma_start3A_561 = arith.constant 1 : i32
    %dma_start3A_562 = arith.constant 0 : i32
    %dma_start3A_563 = arith.constant 0 : i32
    %dma_start3A_564 = tpu.memref_slice %arg6[%dma_start3A_561, %dma_start3A_562, %dma_start3A_563] : memref<2x1600x32xf32, #tpu.memory_space<vmem>> -> memref<1x1600x32xf32, #tpu.memory_space<vmem>>
    %dma_start3A_565 = tpu.memref_squeeze %dma_start3A_564 : memref<1x1600x32xf32, #tpu.memory_space<vmem>> -> memref<1600x32xf32, #tpu.memory_space<vmem>>
    %dma_start3A_566 = arith.constant 0 : i32
    %dma_start3A_567 = tpu.memref_slice %arg4[%add3A_560, %dma_start3A_566] : memref<819200x128xf32, #tpu.memory_space<hbm>> -> memref<1600x32xf32, #tpu.memory_space<hbm>>
    %dma_start3A_568 = arith.constant 0 : i32
    %dma_start3A_569 = tpu.memref_slice %arg4[%add3A_560, %dma_start3A_568] : memref<819200x128xf32, #tpu.memory_space<hbm>> -> memref<1600x32xf32, #tpu.memory_space<hbm>>
    %dma_start3A_570 = arith.constant 0 : i32
    %dma_start3A_571 = arith.constant 0 : i32
    %dma_start3A_572 = tpu.memref_slice %arg6[%dma_start3A_561, %dma_start3A_570, %dma_start3A_571] : memref<2x1600x32xf32, #tpu.memory_space<vmem>> -> memref<1x1600x32xf32, #tpu.memory_space<vmem>>
    %dma_start3A_573 = tpu.memref_squeeze %dma_start3A_572 : memref<1x1600x32xf32, #tpu.memory_space<vmem>> -> memref<1600x32xf32, #tpu.memory_space<vmem>>
    tpu.enqueue_dma source(%dma_start3A_573 : memref<1600x32xf32, #tpu.memory_space<vmem>>) target(%dma_start3A_569 : memref<1600x32xf32, #tpu.memory_space<hbm>>) target_semaphore(%arg10 : memref<!tpu.dma_semaphore, #tpu.memory_space<semaphore_mem>>)
    %dma_wait3A_574 = arith.constant 1 : i32
    %dma_wait3A_575 = arith.constant 0 : i32
    %dma_wait3A_576 = arith.constant 0 : i32
    %dma_wait3A_577 = tpu.memref_slice %arg6[%dma_wait3A_574, %dma_wait3A_575, %dma_wait3A_576] : memref<2x1600x32xf32, #tpu.memory_space<vmem>> -> memref<1x1600x32xf32, #tpu.memory_space<vmem>>
    %dma_wait3A_578 = tpu.memref_squeeze %dma_wait3A_577 : memref<1x1600x32xf32, #tpu.memory_space<vmem>> -> memref<1600x32xf32, #tpu.memory_space<vmem>>
    %dma_wait3A_579 = arith.constant 0 : i32
    %dma_wait3A_580 = tpu.memref_slice %arg4[%add3A_560, %dma_wait3A_579] : memref<819200x128xf32, #tpu.memory_space<hbm>> -> memref<1600x32xf32, #tpu.memory_space<hbm>>
    %dma_wait3A_581 = arith.constant 0 : i32
    %dma_wait3A_582 = tpu.memref_slice %arg4[%add3A_560, %dma_wait3A_581] : memref<819200x128xf32, #tpu.memory_space<hbm>> -> memref<1600x32xf32, #tpu.memory_space<hbm>>
    %dma_wait3A_583 = arith.constant 0 : i32
    %dma_wait3A_584 = arith.constant 0 : i32
    %dma_wait3A_585 = tpu.memref_slice %arg6[%dma_wait3A_574, %dma_wait3A_583, %dma_wait3A_584] : memref<2x1600x32xf32, #tpu.memory_space<vmem>> -> memref<1x1600x32xf32, #tpu.memory_space<vmem>>
    %dma_wait3A_586 = tpu.memref_squeeze %dma_wait3A_585 : memref<1x1600x32xf32, #tpu.memory_space<vmem>> -> memref<1600x32xf32, #tpu.memory_space<vmem>>
    tpu.wait_dma2 semaphore(%arg10 : memref<!tpu.dma_semaphore, #tpu.memory_space<semaphore_mem>>) src(%dma_wait3A_586 : memref<1600x32xf32, #tpu.memory_space<vmem>>) dst(%dma_wait3A_582 : memref<1600x32xf32, #tpu.memory_space<hbm>>)
    %dma_start3A_587 = arith.constant 1 : i32
    %dma_start3A_588 = arith.constant 0 : i32
    %dma_start3A_589 = arith.constant 0 : i32
    %dma_start3A_590 = tpu.memref_slice %arg6[%dma_start3A_587, %dma_start3A_588, %dma_start3A_589] : memref<2x1600x32xf32, #tpu.memory_space<vmem>> -> memref<1x1600x32xf32, #tpu.memory_space<vmem>>
    %dma_start3A_591 = tpu.memref_squeeze %dma_start3A_590 : memref<1x1600x32xf32, #tpu.memory_space<vmem>> -> memref<1600x32xf32, #tpu.memory_space<vmem>>
    %dma_start3A_592 = arith.constant 20800 : i32
    %dma_start3A_593 = tpu.memref_slice %arg5[%dma_start3A_592] : memref<25600xi32, #tpu.memory_space<vmem>> -> memref<1600xi32, #tpu.memory_space<vmem>>
    %dma_start3A_594 = arith.constant 0 : i32
    %dma_start3A_595 = arith.constant 0 : i32
    %dma_start3A_596 = tpu.memref_slice %arg3[%dma_start3A_594, %dma_start3A_595] : memref<1000000x32xf32, #tpu.memory_space<hbm>> -> memref<1000000x32xf32, #tpu.memory_space<hbm>>
    tpu.enqueue_indirect_dma source(%dma_start3A_596 : memref<1000000x32xf32, #tpu.memory_space<hbm>>) target(%dma_start3A_591 : memref<1600x32xf32, #tpu.memory_space<vmem>>) offsets(%dma_start3A_593 : memref<1600xi32, #tpu.memory_space<vmem>>) semaphore(%arg8 : memref<!tpu.dma_semaphore, #tpu.memory_space<semaphore_mem>>)
    %dma_wait3A_597 = arith.constant 0 : i32
    %dma_wait3A_598 = arith.constant 0 : i32
    %dma_wait3A_599 = arith.constant 0 : i32
    %dma_wait3A_600 = tpu.memref_slice %arg6[%dma_wait3A_597, %dma_wait3A_598, %dma_wait3A_599] : memref<2x1600x32xf32, #tpu.memory_space<vmem>> -> memref<1x1600x32xf32, #tpu.memory_space<vmem>>
    %dma_wait3A_601 = tpu.memref_squeeze %dma_wait3A_600 : memref<1x1600x32xf32, #tpu.memory_space<vmem>> -> memref<1600x32xf32, #tpu.memory_space<vmem>>
    %dma_wait3A_602 = arith.constant 19200 : i32
    %dma_wait3A_603 = tpu.memref_slice %arg5[%dma_wait3A_602] : memref<25600xi32, #tpu.memory_space<vmem>> -> memref<1600xi32, #tpu.memory_space<vmem>>
    %dma_wait3A_604 = arith.constant 0 : i32
    %dma_wait3A_605 = arith.constant 0 : i32
    %dma_wait3A_606 = tpu.memref_slice %arg3[%dma_wait3A_604, %dma_wait3A_605] : memref<1000000x32xf32, #tpu.memory_space<hbm>> -> memref<1000000x32xf32, #tpu.memory_space<hbm>>
    tpu.wait_indirect_dma semaphore(%arg7 : memref<!tpu.dma_semaphore, #tpu.memory_space<semaphore_mem>>) src(%dma_wait3A_606 : memref<1000000x32xf32, #tpu.memory_space<hbm>>) dst(%dma_wait3A_601 : memref<1600x32xf32, #tpu.memory_space<vmem>>)
    %add3A_607 = arith.constant 19200 : i32
    %add3A_608 = arith.addi %mul3A_2, %add3A_607 : i32
    %dma_start3A_609 = arith.constant 0 : i32
    %dma_start3A_610 = arith.constant 0 : i32
    %dma_start3A_611 = arith.constant 0 : i32
    %dma_start3A_612 = tpu.memref_slice %arg6[%dma_start3A_609, %dma_start3A_610, %dma_start3A_611] : memref<2x1600x32xf32, #tpu.memory_space<vmem>> -> memref<1x1600x32xf32, #tpu.memory_space<vmem>>
    %dma_start3A_613 = tpu.memref_squeeze %dma_start3A_612 : memref<1x1600x32xf32, #tpu.memory_space<vmem>> -> memref<1600x32xf32, #tpu.memory_space<vmem>>
    %dma_start3A_614 = arith.constant 0 : i32
    %dma_start3A_615 = tpu.memref_slice %arg4[%add3A_608, %dma_start3A_614] : memref<819200x128xf32, #tpu.memory_space<hbm>> -> memref<1600x32xf32, #tpu.memory_space<hbm>>
    %dma_start3A_616 = arith.constant 0 : i32
    %dma_start3A_617 = tpu.memref_slice %arg4[%add3A_608, %dma_start3A_616] : memref<819200x128xf32, #tpu.memory_space<hbm>> -> memref<1600x32xf32, #tpu.memory_space<hbm>>
    %dma_start3A_618 = arith.constant 0 : i32
    %dma_start3A_619 = arith.constant 0 : i32
    %dma_start3A_620 = tpu.memref_slice %arg6[%dma_start3A_609, %dma_start3A_618, %dma_start3A_619] : memref<2x1600x32xf32, #tpu.memory_space<vmem>> -> memref<1x1600x32xf32, #tpu.memory_space<vmem>>
    %dma_start3A_621 = tpu.memref_squeeze %dma_start3A_620 : memref<1x1600x32xf32, #tpu.memory_space<vmem>> -> memref<1600x32xf32, #tpu.memory_space<vmem>>
    tpu.enqueue_dma source(%dma_start3A_621 : memref<1600x32xf32, #tpu.memory_space<vmem>>) target(%dma_start3A_617 : memref<1600x32xf32, #tpu.memory_space<hbm>>) target_semaphore(%arg9 : memref<!tpu.dma_semaphore, #tpu.memory_space<semaphore_mem>>)
    %dma_wait3A_622 = arith.constant 0 : i32
    %dma_wait3A_623 = arith.constant 0 : i32
    %dma_wait3A_624 = arith.constant 0 : i32
    %dma_wait3A_625 = tpu.memref_slice %arg6[%dma_wait3A_622, %dma_wait3A_623, %dma_wait3A_624] : memref<2x1600x32xf32, #tpu.memory_space<vmem>> -> memref<1x1600x32xf32, #tpu.memory_space<vmem>>
    %dma_wait3A_626 = tpu.memref_squeeze %dma_wait3A_625 : memref<1x1600x32xf32, #tpu.memory_space<vmem>> -> memref<1600x32xf32, #tpu.memory_space<vmem>>
    %dma_wait3A_627 = arith.constant 0 : i32
    %dma_wait3A_628 = tpu.memref_slice %arg4[%add3A_608, %dma_wait3A_627] : memref<819200x128xf32, #tpu.memory_space<hbm>> -> memref<1600x32xf32, #tpu.memory_space<hbm>>
    %dma_wait3A_629 = arith.constant 0 : i32
    %dma_wait3A_630 = tpu.memref_slice %arg4[%add3A_608, %dma_wait3A_629] : memref<819200x128xf32, #tpu.memory_space<hbm>> -> memref<1600x32xf32, #tpu.memory_space<hbm>>
    %dma_wait3A_631 = arith.constant 0 : i32
    %dma_wait3A_632 = arith.constant 0 : i32
    %dma_wait3A_633 = tpu.memref_slice %arg6[%dma_wait3A_622, %dma_wait3A_631, %dma_wait3A_632] : memref<2x1600x32xf32, #tpu.memory_space<vmem>> -> memref<1x1600x32xf32, #tpu.memory_space<vmem>>
    %dma_wait3A_634 = tpu.memref_squeeze %dma_wait3A_633 : memref<1x1600x32xf32, #tpu.memory_space<vmem>> -> memref<1600x32xf32, #tpu.memory_space<vmem>>
    tpu.wait_dma2 semaphore(%arg9 : memref<!tpu.dma_semaphore, #tpu.memory_space<semaphore_mem>>) src(%dma_wait3A_634 : memref<1600x32xf32, #tpu.memory_space<vmem>>) dst(%dma_wait3A_630 : memref<1600x32xf32, #tpu.memory_space<hbm>>)
    %dma_start3A_635 = arith.constant 0 : i32
    %dma_start3A_636 = arith.constant 0 : i32
    %dma_start3A_637 = arith.constant 0 : i32
    %dma_start3A_638 = tpu.memref_slice %arg6[%dma_start3A_635, %dma_start3A_636, %dma_start3A_637] : memref<2x1600x32xf32, #tpu.memory_space<vmem>> -> memref<1x1600x32xf32, #tpu.memory_space<vmem>>
    %dma_start3A_639 = tpu.memref_squeeze %dma_start3A_638 : memref<1x1600x32xf32, #tpu.memory_space<vmem>> -> memref<1600x32xf32, #tpu.memory_space<vmem>>
    %dma_start3A_640 = arith.constant 22400 : i32
    %dma_start3A_641 = tpu.memref_slice %arg5[%dma_start3A_640] : memref<25600xi32, #tpu.memory_space<vmem>> -> memref<1600xi32, #tpu.memory_space<vmem>>
    %dma_start3A_642 = arith.constant 0 : i32
    %dma_start3A_643 = arith.constant 0 : i32
    %dma_start3A_644 = tpu.memref_slice %arg3[%dma_start3A_642, %dma_start3A_643] : memref<1000000x32xf32, #tpu.memory_space<hbm>> -> memref<1000000x32xf32, #tpu.memory_space<hbm>>
    tpu.enqueue_indirect_dma source(%dma_start3A_644 : memref<1000000x32xf32, #tpu.memory_space<hbm>>) target(%dma_start3A_639 : memref<1600x32xf32, #tpu.memory_space<vmem>>) offsets(%dma_start3A_641 : memref<1600xi32, #tpu.memory_space<vmem>>) semaphore(%arg7 : memref<!tpu.dma_semaphore, #tpu.memory_space<semaphore_mem>>)
    %dma_wait3A_645 = arith.constant 1 : i32
    %dma_wait3A_646 = arith.constant 0 : i32
    %dma_wait3A_647 = arith.constant 0 : i32
    %dma_wait3A_648 = tpu.memref_slice %arg6[%dma_wait3A_645, %dma_wait3A_646, %dma_wait3A_647] : memref<2x1600x32xf32, #tpu.memory_space<vmem>> -> memref<1x1600x32xf32, #tpu.memory_space<vmem>>
    %dma_wait3A_649 = tpu.memref_squeeze %dma_wait3A_648 : memref<1x1600x32xf32, #tpu.memory_space<vmem>> -> memref<1600x32xf32, #tpu.memory_space<vmem>>
    %dma_wait3A_650 = arith.constant 20800 : i32
    %dma_wait3A_651 = tpu.memref_slice %arg5[%dma_wait3A_650] : memref<25600xi32, #tpu.memory_space<vmem>> -> memref<1600xi32, #tpu.memory_space<vmem>>
    %dma_wait3A_652 = arith.constant 0 : i32
    %dma_wait3A_653 = arith.constant 0 : i32
    %dma_wait3A_654 = tpu.memref_slice %arg3[%dma_wait3A_652, %dma_wait3A_653] : memref<1000000x32xf32, #tpu.memory_space<hbm>> -> memref<1000000x32xf32, #tpu.memory_space<hbm>>
    tpu.wait_indirect_dma semaphore(%arg8 : memref<!tpu.dma_semaphore, #tpu.memory_space<semaphore_mem>>) src(%dma_wait3A_654 : memref<1000000x32xf32, #tpu.memory_space<hbm>>) dst(%dma_wait3A_649 : memref<1600x32xf32, #tpu.memory_space<vmem>>)
    %add3A_655 = arith.constant 20800 : i32
    %add3A_656 = arith.addi %mul3A_2, %add3A_655 : i32
    %dma_start3A_657 = arith.constant 1 : i32
    %dma_start3A_658 = arith.constant 0 : i32
    %dma_start3A_659 = arith.constant 0 : i32
    %dma_start3A_660 = tpu.memref_slice %arg6[%dma_start3A_657, %dma_start3A_658, %dma_start3A_659] : memref<2x1600x32xf32, #tpu.memory_space<vmem>> -> memref<1x1600x32xf32, #tpu.memory_space<vmem>>
    %dma_start3A_661 = tpu.memref_squeeze %dma_start3A_660 : memref<1x1600x32xf32, #tpu.memory_space<vmem>> -> memref<1600x32xf32, #tpu.memory_space<vmem>>
    %dma_start3A_662 = arith.constant 0 : i32
    %dma_start3A_663 = tpu.memref_slice %arg4[%add3A_656, %dma_start3A_662] : memref<819200x128xf32, #tpu.memory_space<hbm>> -> memref<1600x32xf32, #tpu.memory_space<hbm>>
    %dma_start3A_664 = arith.constant 0 : i32
    %dma_start3A_665 = tpu.memref_slice %arg4[%add3A_656, %dma_start3A_664] : memref<819200x128xf32, #tpu.memory_space<hbm>> -> memref<1600x32xf32, #tpu.memory_space<hbm>>
    %dma_start3A_666 = arith.constant 0 : i32
    %dma_start3A_667 = arith.constant 0 : i32
    %dma_start3A_668 = tpu.memref_slice %arg6[%dma_start3A_657, %dma_start3A_666, %dma_start3A_667] : memref<2x1600x32xf32, #tpu.memory_space<vmem>> -> memref<1x1600x32xf32, #tpu.memory_space<vmem>>
    %dma_start3A_669 = tpu.memref_squeeze %dma_start3A_668 : memref<1x1600x32xf32, #tpu.memory_space<vmem>> -> memref<1600x32xf32, #tpu.memory_space<vmem>>
    tpu.enqueue_dma source(%dma_start3A_669 : memref<1600x32xf32, #tpu.memory_space<vmem>>) target(%dma_start3A_665 : memref<1600x32xf32, #tpu.memory_space<hbm>>) target_semaphore(%arg10 : memref<!tpu.dma_semaphore, #tpu.memory_space<semaphore_mem>>)
    %dma_wait3A_670 = arith.constant 1 : i32
    %dma_wait3A_671 = arith.constant 0 : i32
    %dma_wait3A_672 = arith.constant 0 : i32
    %dma_wait3A_673 = tpu.memref_slice %arg6[%dma_wait3A_670, %dma_wait3A_671, %dma_wait3A_672] : memref<2x1600x32xf32, #tpu.memory_space<vmem>> -> memref<1x1600x32xf32, #tpu.memory_space<vmem>>
    %dma_wait3A_674 = tpu.memref_squeeze %dma_wait3A_673 : memref<1x1600x32xf32, #tpu.memory_space<vmem>> -> memref<1600x32xf32, #tpu.memory_space<vmem>>
    %dma_wait3A_675 = arith.constant 0 : i32
    %dma_wait3A_676 = tpu.memref_slice %arg4[%add3A_656, %dma_wait3A_675] : memref<819200x128xf32, #tpu.memory_space<hbm>> -> memref<1600x32xf32, #tpu.memory_space<hbm>>
    %dma_wait3A_677 = arith.constant 0 : i32
    %dma_wait3A_678 = tpu.memref_slice %arg4[%add3A_656, %dma_wait3A_677] : memref<819200x128xf32, #tpu.memory_space<hbm>> -> memref<1600x32xf32, #tpu.memory_space<hbm>>
    %dma_wait3A_679 = arith.constant 0 : i32
    %dma_wait3A_680 = arith.constant 0 : i32
    %dma_wait3A_681 = tpu.memref_slice %arg6[%dma_wait3A_670, %dma_wait3A_679, %dma_wait3A_680] : memref<2x1600x32xf32, #tpu.memory_space<vmem>> -> memref<1x1600x32xf32, #tpu.memory_space<vmem>>
    %dma_wait3A_682 = tpu.memref_squeeze %dma_wait3A_681 : memref<1x1600x32xf32, #tpu.memory_space<vmem>> -> memref<1600x32xf32, #tpu.memory_space<vmem>>
    tpu.wait_dma2 semaphore(%arg10 : memref<!tpu.dma_semaphore, #tpu.memory_space<semaphore_mem>>) src(%dma_wait3A_682 : memref<1600x32xf32, #tpu.memory_space<vmem>>) dst(%dma_wait3A_678 : memref<1600x32xf32, #tpu.memory_space<hbm>>)
    %dma_start3A_683 = arith.constant 1 : i32
    %dma_start3A_684 = arith.constant 0 : i32
    %dma_start3A_685 = arith.constant 0 : i32
    %dma_start3A_686 = tpu.memref_slice %arg6[%dma_start3A_683, %dma_start3A_684, %dma_start3A_685] : memref<2x1600x32xf32, #tpu.memory_space<vmem>> -> memref<1x1600x32xf32, #tpu.memory_space<vmem>>
    %dma_start3A_687 = tpu.memref_squeeze %dma_start3A_686 : memref<1x1600x32xf32, #tpu.memory_space<vmem>> -> memref<1600x32xf32, #tpu.memory_space<vmem>>
    %dma_start3A_688 = arith.constant 24000 : i32
    %dma_start3A_689 = tpu.memref_slice %arg5[%dma_start3A_688] : memref<25600xi32, #tpu.memory_space<vmem>> -> memref<1600xi32, #tpu.memory_space<vmem>>
    %dma_start3A_690 = arith.constant 0 : i32
    %dma_start3A_691 = arith.constant 0 : i32
    %dma_start3A_692 = tpu.memref_slice %arg3[%dma_start3A_690, %dma_start3A_691] : memref<1000000x32xf32, #tpu.memory_space<hbm>> -> memref<1000000x32xf32, #tpu.memory_space<hbm>>
    tpu.enqueue_indirect_dma source(%dma_start3A_692 : memref<1000000x32xf32, #tpu.memory_space<hbm>>) target(%dma_start3A_687 : memref<1600x32xf32, #tpu.memory_space<vmem>>) offsets(%dma_start3A_689 : memref<1600xi32, #tpu.memory_space<vmem>>) semaphore(%arg8 : memref<!tpu.dma_semaphore, #tpu.memory_space<semaphore_mem>>)
    %dma_wait3A_693 = arith.constant 0 : i32
    %dma_wait3A_694 = arith.constant 0 : i32
    %dma_wait3A_695 = arith.constant 0 : i32
    %dma_wait3A_696 = tpu.memref_slice %arg6[%dma_wait3A_693, %dma_wait3A_694, %dma_wait3A_695] : memref<2x1600x32xf32, #tpu.memory_space<vmem>> -> memref<1x1600x32xf32, #tpu.memory_space<vmem>>
    %dma_wait3A_697 = tpu.memref_squeeze %dma_wait3A_696 : memref<1x1600x32xf32, #tpu.memory_space<vmem>> -> memref<1600x32xf32, #tpu.memory_space<vmem>>
    %dma_wait3A_698 = arith.constant 22400 : i32
    %dma_wait3A_699 = tpu.memref_slice %arg5[%dma_wait3A_698] : memref<25600xi32, #tpu.memory_space<vmem>> -> memref<1600xi32, #tpu.memory_space<vmem>>
    %dma_wait3A_700 = arith.constant 0 : i32
    %dma_wait3A_701 = arith.constant 0 : i32
    %dma_wait3A_702 = tpu.memref_slice %arg3[%dma_wait3A_700, %dma_wait3A_701] : memref<1000000x32xf32, #tpu.memory_space<hbm>> -> memref<1000000x32xf32, #tpu.memory_space<hbm>>
    tpu.wait_indirect_dma semaphore(%arg7 : memref<!tpu.dma_semaphore, #tpu.memory_space<semaphore_mem>>) src(%dma_wait3A_702 : memref<1000000x32xf32, #tpu.memory_space<hbm>>) dst(%dma_wait3A_697 : memref<1600x32xf32, #tpu.memory_space<vmem>>)
    %add3A_703 = arith.constant 22400 : i32
    %add3A_704 = arith.addi %mul3A_2, %add3A_703 : i32
    %dma_start3A_705 = arith.constant 0 : i32
    %dma_start3A_706 = arith.constant 0 : i32
    %dma_start3A_707 = arith.constant 0 : i32
    %dma_start3A_708 = tpu.memref_slice %arg6[%dma_start3A_705, %dma_start3A_706, %dma_start3A_707] : memref<2x1600x32xf32, #tpu.memory_space<vmem>> -> memref<1x1600x32xf32, #tpu.memory_space<vmem>>
    %dma_start3A_709 = tpu.memref_squeeze %dma_start3A_708 : memref<1x1600x32xf32, #tpu.memory_space<vmem>> -> memref<1600x32xf32, #tpu.memory_space<vmem>>
    %dma_start3A_710 = arith.constant 0 : i32
    %dma_start3A_711 = tpu.memref_slice %arg4[%add3A_704, %dma_start3A_710] : memref<819200x128xf32, #tpu.memory_space<hbm>> -> memref<1600x32xf32, #tpu.memory_space<hbm>>
    %dma_start3A_712 = arith.constant 0 : i32
    %dma_start3A_713 = tpu.memref_slice %arg4[%add3A_704, %dma_start3A_712] : memref<819200x128xf32, #tpu.memory_space<hbm>> -> memref<1600x32xf32, #tpu.memory_space<hbm>>
    %dma_start3A_714 = arith.constant 0 : i32
    %dma_start3A_715 = arith.constant 0 : i32
    %dma_start3A_716 = tpu.memref_slice %arg6[%dma_start3A_705, %dma_start3A_714, %dma_start3A_715] : memref<2x1600x32xf32, #tpu.memory_space<vmem>> -> memref<1x1600x32xf32, #tpu.memory_space<vmem>>
    %dma_start3A_717 = tpu.memref_squeeze %dma_start3A_716 : memref<1x1600x32xf32, #tpu.memory_space<vmem>> -> memref<1600x32xf32, #tpu.memory_space<vmem>>
    tpu.enqueue_dma source(%dma_start3A_717 : memref<1600x32xf32, #tpu.memory_space<vmem>>) target(%dma_start3A_713 : memref<1600x32xf32, #tpu.memory_space<hbm>>) target_semaphore(%arg9 : memref<!tpu.dma_semaphore, #tpu.memory_space<semaphore_mem>>)
    %dma_wait3A_718 = arith.constant 1 : i32
    %dma_wait3A_719 = arith.constant 0 : i32
    %dma_wait3A_720 = arith.constant 0 : i32
    %dma_wait3A_721 = tpu.memref_slice %arg6[%dma_wait3A_718, %dma_wait3A_719, %dma_wait3A_720] : memref<2x1600x32xf32, #tpu.memory_space<vmem>> -> memref<1x1600x32xf32, #tpu.memory_space<vmem>>
    %dma_wait3A_722 = tpu.memref_squeeze %dma_wait3A_721 : memref<1x1600x32xf32, #tpu.memory_space<vmem>> -> memref<1600x32xf32, #tpu.memory_space<vmem>>
    %dma_wait3A_723 = arith.constant 24000 : i32
    %dma_wait3A_724 = tpu.memref_slice %arg5[%dma_wait3A_723] : memref<25600xi32, #tpu.memory_space<vmem>> -> memref<1600xi32, #tpu.memory_space<vmem>>
    %dma_wait3A_725 = arith.constant 0 : i32
    %dma_wait3A_726 = arith.constant 0 : i32
    %dma_wait3A_727 = tpu.memref_slice %arg3[%dma_wait3A_725, %dma_wait3A_726] : memref<1000000x32xf32, #tpu.memory_space<hbm>> -> memref<1000000x32xf32, #tpu.memory_space<hbm>>
    tpu.wait_indirect_dma semaphore(%arg8 : memref<!tpu.dma_semaphore, #tpu.memory_space<semaphore_mem>>) src(%dma_wait3A_727 : memref<1000000x32xf32, #tpu.memory_space<hbm>>) dst(%dma_wait3A_722 : memref<1600x32xf32, #tpu.memory_space<vmem>>)
    %add3A_728 = arith.constant 24000 : i32
    %add3A_729 = arith.addi %mul3A_2, %add3A_728 : i32
    %dma_start3A_730 = arith.constant 1 : i32
    %dma_start3A_731 = arith.constant 0 : i32
    %dma_start3A_732 = arith.constant 0 : i32
    %dma_start3A_733 = tpu.memref_slice %arg6[%dma_start3A_730, %dma_start3A_731, %dma_start3A_732] : memref<2x1600x32xf32, #tpu.memory_space<vmem>> -> memref<1x1600x32xf32, #tpu.memory_space<vmem>>
    %dma_start3A_734 = tpu.memref_squeeze %dma_start3A_733 : memref<1x1600x32xf32, #tpu.memory_space<vmem>> -> memref<1600x32xf32, #tpu.memory_space<vmem>>
    %dma_start3A_735 = arith.constant 0 : i32
    %dma_start3A_736 = tpu.memref_slice %arg4[%add3A_729, %dma_start3A_735] : memref<819200x128xf32, #tpu.memory_space<hbm>> -> memref<1600x32xf32, #tpu.memory_space<hbm>>
    %dma_start3A_737 = arith.constant 0 : i32
    %dma_start3A_738 = tpu.memref_slice %arg4[%add3A_729, %dma_start3A_737] : memref<819200x128xf32, #tpu.memory_space<hbm>> -> memref<1600x32xf32, #tpu.memory_space<hbm>>
    %dma_start3A_739 = arith.constant 0 : i32
    %dma_start3A_740 = arith.constant 0 : i32
    %dma_start3A_741 = tpu.memref_slice %arg6[%dma_start3A_730, %dma_start3A_739, %dma_start3A_740] : memref<2x1600x32xf32, #tpu.memory_space<vmem>> -> memref<1x1600x32xf32, #tpu.memory_space<vmem>>
    %dma_start3A_742 = tpu.memref_squeeze %dma_start3A_741 : memref<1x1600x32xf32, #tpu.memory_space<vmem>> -> memref<1600x32xf32, #tpu.memory_space<vmem>>
    tpu.enqueue_dma source(%dma_start3A_742 : memref<1600x32xf32, #tpu.memory_space<vmem>>) target(%dma_start3A_738 : memref<1600x32xf32, #tpu.memory_space<hbm>>) target_semaphore(%arg10 : memref<!tpu.dma_semaphore, #tpu.memory_space<semaphore_mem>>)
    %dma_wait3A_743 = arith.constant 0 : i32
    %dma_wait3A_744 = arith.constant 0 : i32
    %dma_wait3A_745 = arith.constant 0 : i32
    %dma_wait3A_746 = tpu.memref_slice %arg6[%dma_wait3A_743, %dma_wait3A_744, %dma_wait3A_745] : memref<2x1600x32xf32, #tpu.memory_space<vmem>> -> memref<1x1600x32xf32, #tpu.memory_space<vmem>>
    %dma_wait3A_747 = tpu.memref_squeeze %dma_wait3A_746 : memref<1x1600x32xf32, #tpu.memory_space<vmem>> -> memref<1600x32xf32, #tpu.memory_space<vmem>>
    %dma_wait3A_748 = arith.constant 0 : i32
    %dma_wait3A_749 = tpu.memref_slice %arg4[%add3A_704, %dma_wait3A_748] : memref<819200x128xf32, #tpu.memory_space<hbm>> -> memref<1600x32xf32, #tpu.memory_space<hbm>>
    %dma_wait3A_750 = arith.constant 0 : i32
    %dma_wait3A_751 = tpu.memref_slice %arg4[%add3A_704, %dma_wait3A_750] : memref<819200x128xf32, #tpu.memory_space<hbm>> -> memref<1600x32xf32, #tpu.memory_space<hbm>>
    %dma_wait3A_752 = arith.constant 0 : i32
    %dma_wait3A_753 = arith.constant 0 : i32
    %dma_wait3A_754 = tpu.memref_slice %arg6[%dma_wait3A_743, %dma_wait3A_752, %dma_wait3A_753] : memref<2x1600x32xf32, #tpu.memory_space<vmem>> -> memref<1x1600x32xf32, #tpu.memory_space<vmem>>
    %dma_wait3A_755 = tpu.memref_squeeze %dma_wait3A_754 : memref<1x1600x32xf32, #tpu.memory_space<vmem>> -> memref<1600x32xf32, #tpu.memory_space<vmem>>
    tpu.wait_dma2 semaphore(%arg9 : memref<!tpu.dma_semaphore, #tpu.memory_space<semaphore_mem>>) src(%dma_wait3A_755 : memref<1600x32xf32, #tpu.memory_space<vmem>>) dst(%dma_wait3A_751 : memref<1600x32xf32, #tpu.memory_space<hbm>>)
    %dma_wait3A_756 = arith.constant 1 : i32
    %dma_wait3A_757 = arith.constant 0 : i32
    %dma_wait3A_758 = arith.constant 0 : i32
    %dma_wait3A_759 = tpu.memref_slice %arg6[%dma_wait3A_756, %dma_wait3A_757, %dma_wait3A_758] : memref<2x1600x32xf32, #tpu.memory_space<vmem>> -> memref<1x1600x32xf32, #tpu.memory_space<vmem>>
    %dma_wait3A_760 = tpu.memref_squeeze %dma_wait3A_759 : memref<1x1600x32xf32, #tpu.memory_space<vmem>> -> memref<1600x32xf32, #tpu.memory_space<vmem>>
    %dma_wait3A_761 = arith.constant 0 : i32
    %dma_wait3A_762 = tpu.memref_slice %arg4[%add3A_729, %dma_wait3A_761] : memref<819200x128xf32, #tpu.memory_space<hbm>> -> memref<1600x32xf32, #tpu.memory_space<hbm>>
    %dma_wait3A_763 = arith.constant 0 : i32
    %dma_wait3A_764 = tpu.memref_slice %arg4[%add3A_729, %dma_wait3A_763] : memref<819200x128xf32, #tpu.memory_space<hbm>> -> memref<1600x32xf32, #tpu.memory_space<hbm>>
    %dma_wait3A_765 = arith.constant 0 : i32
    %dma_wait3A_766 = arith.constant 0 : i32
    %dma_wait3A_767 = tpu.memref_slice %arg6[%dma_wait3A_756, %dma_wait3A_765, %dma_wait3A_766] : memref<2x1600x32xf32, #tpu.memory_space<vmem>> -> memref<1x1600x32xf32, #tpu.memory_space<vmem>>
    %dma_wait3A_768 = tpu.memref_squeeze %dma_wait3A_767 : memref<1x1600x32xf32, #tpu.memory_space<vmem>> -> memref<1600x32xf32, #tpu.memory_space<vmem>>
    tpu.wait_dma2 semaphore(%arg10 : memref<!tpu.dma_semaphore, #tpu.memory_space<semaphore_mem>>) src(%dma_wait3A_768 : memref<1600x32xf32, #tpu.memory_space<vmem>>) dst(%dma_wait3A_764 : memref<1600x32xf32, #tpu.memory_space<hbm>>)
    return
  }
}

</mosaic_0001>

<sc_bundles>
// kernel: kernel.3.cloned.1.call-start
scs
__scs_entry_jumppad:
0x0: {  	(pc) =	sbr.rel $0x88, $3  }
0x1: {  	(tag) =	ssettag $0x0;
	lr =	simm.s32 $0x1  }
0x2: {  	[smem:$0x3F9F] =	sst lr;
	_ =	strace $0xD0000000  }
0x3: {  	_ = 	snop  }
0x4: {  	_ = 	snop  }
0x5: {  	_ = 	snop  }
0x6: {  	_ = 	snop  }
0x7: {  	_ = 	snop  }
__scs_overlays_trampoline_lowered:
0x8: {  	[smem:$0x3FAE] =	sst s0  }
0x9: {  	[smem:$0x3FAF] =	sst s1  }
0xa: {  	[smem:$0x3FB0] =	sst s2  }
0xb: {  	[smem:$0x3FB1] =	sst s3  }
0xc: {  	[smem:$0x3FB2] =	sst s4  }
0xd: {  	[smem:$0x3FB3] =	sst s5  }
0xe: {  	[smem:$0x3FB4] =	sst s6  }
0xf: {  	[smem:$0x3FB5] =	sst s7  }
0x10: {  	[smem:$0x3FB6] =	sst s8  }
0x11: {  	[smem:$0x3FB7] =	sst s9;
	s0 =	simm.s32 @!p0 $0x0  }
0x12: {  	s1 =	sld [smem:$0x3F9D];
	s0 =	simm.s32 @p0 $0x1  }
0x13: {  	[smem:$0x3FB8] =	sst s0;
	s0 =	simm.s32 @!p1 $0x0  }
0x14: {  	s2 =	sld [smem:$0x3F9C];
	s0 =	simm.s32 @p1 $0x1  }
0x15: {  	[smem:$0x3FB9] =	sst s0;
	s0 =	simm.s32 @!p2 $0x0  }
0x16: {  	s3 =	sld [smem:$0x3FDB];
	s0 =	simm.s32 @p2 $0x1  }
0x17: {  	s4 =	simm.s32 $0x1BF5;
	[smem:$0x3FBB] =	sst s0  }
0x18: {  	s0 =	sld [smem:$0x3F9E];
	_ =	swait.ge [sflag:s4], $0x0  }
0x19: {  	s7 =	sld [smem:$0x3F9F]  }
0x1a: {  	s8 =	sadd.s32 $0xFFFFE003, lr  }
0x1b: {  	s9 =	sadd.s32 $0xFFFFFEF7, lr;
	s5 =	simm.s32 $0xFFFFFFFF;
	p2 =	slt.u32 s8, $0xFFFFF086  }
0x1c: {  	p1 =	slt.u32 s9, $0xF7A;
	s5 =	simm.s32 @!p2 $0x0  }
0x1d: {  	s5 =	simm.s32 @p1 $0x1;
	p0 =	seq.s32 s7, s2  }
0x1e: {  	s7 =	smul.u32 @!p0 $0xF7A, s2;
	p2 =	seq.s32 @!p0 s5, $0x0  }
0x1f: {  	s9 =	smul.u32 $0xF7A, s1;
	s8 =	simm.s32 @!p0 $0x1BF5;
	p2 =	por !p2, p0  }
0x20: {  	[sflag:s8] =	ssyncset.s32 @!p0 $0xFFFFF086;
	s6 =	sadd.s32 @!p0 s3, s7;
	s7 =	simm.s32 @!p0 $0x108  }
0x21: {  	s3 =	sadd.s32 s3, s9;
	s6 =	sadd.s32 @!p0 $0x88, s6;
	s7 =	simm.s32 @p2 $0x1082  }
0x22: {  	[simem:s7], [sflag:s8] =	dma.local @!p0 [hbm:s6], $0xF7A  }
0x23: {  	s9 =	sor.u32 $0xD0000000, s2;
	s6 =	simm.s32 $0x108;
	_ =	swait.ge @!p0 [sflag:s8], $0x0  }
0x24: {  	s3 =	sadd.s32 $0x88, s3;
	s6 =	simm.s32 @!p1 $0x1082;
	[sflag:s4] =	ssyncset.s32 $0xFFFFF086  }
0x25: {  	[simem:s6], [sflag:s4] =	dma.local [hbm:s3], $0xF7A  }
0x26: {  	[smem:$0x3F9F] =	sst s1;
	(tag) =	ssettag s2;
	_ =	strace s9  }
0x27: {  	s1 =	sld [smem:$0x3FAF]  }
0x28: {  	s2 =	sld [smem:$0x3FB0]  }
0x29: {  	s4 =	sld [smem:$0x3FB2]  }
0x2a: {  	p0 =	seq.s32 s5, $0x0;
	s5 =	sld [smem:$0x3FB3]  }
0x2b: {  	s6 =	sld [smem:$0x3FB4]  }
0x2c: {  	s7 =	sld [smem:$0x3FB5]  }
0x2d: {  	s3 =	simm.s32 $0x108;
	s8 =	sld [smem:$0x3FB6]  }
0x2e: {  	s3 =	simm.s32 @!p0 $0x1082;
	s9 =	sld [smem:$0x3FB7]  }
0x2f: {  	lr =	sadd.s32 s0, s3;
	s0 =	sld [smem:$0x3FAE]  }
0x30: {  	s3 =	sld [smem:$0x3FB1]  }
0x31: {  	[smem:$0x3FBA] =	sst s10  }
0x32: {  	s10 =	sld [smem:$0x3FB8];
	_ =	sdelay $0x3  }
0x33: {  	p0 =	seq.s32 s10, $0x1;
	s10 =	sld [smem:$0x3FBA];
	_ =	sdelay $0x3  }
0x34: {  	[smem:$0x3FBA] =	sst s10  }
0x35: {  	s10 =	sld [smem:$0x3FB9];
	_ =	sdelay $0x3  }
0x36: {  	p1 =	seq.s32 s10, $0x1;
	s10 =	sld [smem:$0x3FBA];
	_ =	sdelay $0x3  }
0x37: {  	[smem:$0x3FBA] =	sst s10  }
0x38: {  	s10 =	sld [smem:$0x3FBB]  }
0x39: {  	_ = 	snop;
	(pc) =	sbr.ind lr, $3  }
0x3a: {  	_ = 	snop  }
0x3b: {  	_ = 	snop  }
0x3c: {  	p2 =	seq.s32 s10, $0x1;
	s10 =	sld [smem:$0x3FBA]  }
0x3d: {  	_ =	shalt  }
0x3e: {  	_ =	shalt  }
0x3f: {  	_ =	shalt  }
0x40: {  	_ =	shalt  }
0x41: {  	_ =	shalt  }
0x42: {  	_ =	shalt  }
0x43: {  	_ =	shalt  }
0x44: {  	_ =	shalt  }
0x45: {  	_ =	shalt  }
0x46: {  	_ =	shalt  }
0x47: {  	_ =	shalt  }
0x48: {  	_ =	shalt  }
0x49: {  	_ =	shalt  }
0x4a: {  	_ =	shalt  }
0x4b: {  	_ =	shalt  }
0x4c: {  	_ =	shalt  }
0x4d: {  	_ =	shalt  }
0x4e: {  	_ =	shalt  }
0x4f: {  	_ =	shalt  }
0x50: {  	_ =	shalt  }
0x51: {  	_ =	shalt  }
0x52: {  	_ =	shalt  }
0x53: {  	_ =	shalt  }
0x54: {  	_ =	shalt  }
0x55: {  	_ =	shalt  }
0x56: {  	_ =	shalt  }
0x57: {  	_ =	shalt  }
0x58: {  	_ =	shalt  }
0x59: {  	_ =	shalt  }
0x5a: {  	_ =	shalt  }
0x5b: {  	_ =	shalt  }
0x5c: {  	_ =	shalt  }
0x5d: {  	_ =	shalt  }
0x5e: {  	_ =	shalt  }
0x5f: {  	_ =	shalt  }
0x60: {  	_ =	shalt  }
0x61: {  	_ =	shalt  }
0x62: {  	_ =	shalt  }
0x63: {  	_ =	shalt  }
0x64: {  	_ =	shalt  }
0x65: {  	_ =	shalt  }
0x66: {  	_ =	shalt  }
0x67: {  	_ =	shalt  }
0x68: {  	_ =	shalt  }
0x69: {  	_ =	shalt  }
0x6a: {  	_ =	shalt  }
0x6b: {  	_ =	shalt  }
0x6c: {  	_ =	shalt  }
0x6d: {  	_ =	shalt  }
0x6e: {  	_ =	shalt  }
0x6f: {  	_ =	shalt  }
0x70: {  	_ =	shalt  }
0x71: {  	_ =	shalt  }
0x72: {  	_ =	shalt  }
0x73: {  	_ =	shalt  }
0x74: {  	_ =	shalt  }
0x75: {  	_ =	shalt  }
0x76: {  	_ =	shalt  }
0x77: {  	_ =	shalt  }
0x78: {  	_ =	shalt  }
0x79: {  	_ =	shalt  }
0x7a: {  	_ =	shalt  }
0x7b: {  	_ =	shalt  }
0x7c: {  	_ =	shalt  }
0x7d: {  	_ =	shalt  }
0x7e: {  	_ =	shalt  }
0x7f: {  	_ =	shalt  }
0x80: {  	_ =	shalt  }
0x81: {  	_ =	shalt  }
0x82: {  	_ =	shalt  }
0x83: {  	_ =	shalt  }
0x84: {  	_ =	shalt  }
0x85: {  	_ =	shalt  }
0x86: {  	_ =	shalt  }
0x87: {  	_ =	shalt  }
.Lfunc_end0:
.L_simem_size_0:
called_computation.1_lowered:
.L_overlay_start_0:
0x88: {  	s2 =	sld [smem:$0x3FD9]  }
0x89: {  	s3 =	sld [smem:$0x3FFE];
	_ =	sdelay $0x1  }
0x8a: {  	s1 =	srdreg.scid  }
0x8b: {  	s0 =	sand.u32 $0x1, s1  }
0x8c: {  	s17 =	sshll.u32 s0, $0xA;
	s2 =	sadd.s32 s3, s2  }
0x8d: {  	s2 =	sadd.s32 s2, s17  }
0x8e: {  	[smem:$0x3FC6] =	sst s2  }
0x8f: {  	_ = 	snop  }
0x90: {  	s2 =	sld [smem:$0x3FD0];
	(tm) =	ssettm $0x1  }
0x91: {  	s18 =	sld [smem:$0x3FFB];
	_ =	sdelay $0x3  }
0x92: {  	_ =	strace s18  }
0x93: {  	s3 =	sld [smem:$0x3FFC];
	_ =	sdelay $0x3  }
0x94: {  	_ =	strace s3  }
0x95: {  	s3 =	sld [smem:$0x3FFD];
	_ =	sdelay $0x3  }
0x96: {  	_ =	strace s3  }
0x97: {  	_ =	strace $0x8FFFFFFF  }
0x98: {  	s19 =	sld [smem:$0x3FDB];
	_ =	sdelay $0x1  }
0x99: {  	s4 =	simm.s32 $_scs_section_size  }
0x9a: {  	s5 =	simm.s32 $_size__tile_overlayer_lowered;
	s6 =	simm.s32 $_tile_overlayer_lowered  }
0x9b: {  	s22 =	simm.s32 $0x1BFF;
	s21 =	sshll.u32 s6, $0x1;
	s3 =	sadd.s32 s4, s19  }
0x9c: {  	s7 =	simm.s32 $0x0;
	s20 =	sshll.u32 s5, $0x1;
	s5 =	sadd.s32 s21, s3  }
0x9d: {  	[timem:s7], [sflag:s22] =	dma.local [hbm:s5], s20  }
0x9e: {  	_ =	swait.ge [sflag:s22], s20  }
0x9f: {  	s4 =	ssub.s32 $0x0, s20;
	[sflag:s22] =	ssyncset.done $0x0  }
0xa0: {  	[sflag:s22] =	ssyncadd.s32 s4;
	_ =	sdelay $0x1  }
0xa1: {  	s23 =	simm.s32 $0x1B8B  }
0xa2: {  	_ =	swait.ge [sflag:s23], $0x1  }
0xa3: {  	[sflag:s23] =	ssyncset.done $0x0  }
0xa4: {  	s25 =	simm.s32 $0x1B8E;
	s24 =	sld [smem:$0x3FFE];
	[sflag:s23] =	ssyncadd.s32 $0xFFFFFFFF  }
0xa5: {  	s26 =	simm.s32 $execute0_lowered;
	[smem:$0x3FD2] =	sst s25  }
0xa6: {  	s5 =	sshll.u32 s26, $0x1;
	_ =	strace $0x80000046;
	[dreg:$0x1] =	wrdreg $0xFFFFFFFF  }
0xa7: {  	s28 =	simm.s32 $_size_execute0_lowered;
	s3 =	sadd.s32 s3, s5;
	[dreg:$0x0] =	wrdreg $0x0  }
0xa8: {  	s5 =	sshll.u32 s28, $0x1;
	[dreg:$0x2] =	wrdreg s3  }
0xa9: {  	[dreg:$0x3] =	wrdreg s5  }
0xaa: {  	[dreg:$0x4] =	wrdreg $0xC0  }
0xab: {  	_ =	task [dreg:s7], $0x5FFFF  }
0xac: {  	[dreg:$0x1] =	wrdreg $0xFFFFFFFF  }
0xad: {  	[dreg:$0x0] =	wrdreg $0x60  }
0xae: {  	[dreg:$0x2] =	wrdreg s2  }
0xaf: {  	[dreg:$0x3] =	wrdreg s24  }
0xb0: {  	[dreg:$0x4] =	wrdreg $0x9  }
0xb1: {  	_ =	task.clear_ibuf [dreg:s7], $0x5FFFF;
	_ =	strace $0x90000046  }
0xb2: {  	s29 =	simm.s32 $0x9;
	_ =	strace $0x80000048  }
0xb3: {  	_ =	swait.ge [sflag:s29], $0x1  }
0xb4: {  	[sflag:s29] =	ssyncadd.s32 $0xFFFFFFFF  }
0xb5: {  	_ =	strace $0x90000048  }
0xb6: {  	_ =	sfence  }
0xb7: {  	s30 =	sld [smem:$0x0];
	_ =	sdelay $0x2  }
0xb8: {  	s31 =	sshll.u32 s1, $0xD;
	s1 =	sshrl.u32 s1, $0x2  }
0xb9: {  	s3 =	sand.u32 $0x4000, s31;
	s1 =	sadd.s32 s1, s30  }
0xba: {  	s0 =	sor.u32 s3, s0;
	s1 =	sshll.u32 s1, $0x11  }
0xbb: {  	s0 =	sor.u32 s1, s0  }
0xbc: {  	s0 =	sadd.s32 $0x8F2B, s0  }
0xbd: {  	[sflag:s0] =	ssyncadd.remote.s32 $0x1  }
0xbe: {  	_ =	sfence.sel $0xFFFF  }
0xbf: {  	[dreg:$0x0] =	wrdreg $0xFFFFFFFF;
	(pc) =	sbr.abs _section_cstart, $3  }
0xc0: {  	[dreg:$0x1] =	wrdreg $0xFFFFFFFF  }
0xc1: {  	_ =	task.clear_ibuf [dreg:s7], $0x2FFFF;
	_ =	strace $0x9FFFFFFF  }
0xc2: {  	(tm) =	ssettm $0x7FFFFFFF  }
0xc3: {  	_ =	shalt  }
tec
execute0_lowered:
.L_overlay_start_1:
0x0: {  	(tag) =	ssettag $0x1  }
0x1: {  	s0 =	srdreg.scid  }
0x2: {  	s2 =	stileid.u32;
	s1 =	rddreg [dreg:$0x0]  }
0x3: {  	s3 =	rddreg [dreg:$0x1];
	s23 =	simm.s32 $0x0;
	s31 =	simm.s32 $0x5  }
0x4: {  	s9 =	simm.s32 $0x6400;
	s0 =	sand.u32 $0x1, s0;
	s2 =	sshll.u32 s2, $0x1  }
0x5: {  	s8 =	simm.s32 $0x20;
	s10 =	simm.s32 $0x80;
	s2 =	sor.u32 s0, s2  }
0x6: {  	s30 =	simm.s32 $0xC80;
	[smem:$0x7FF] =	sst s23;
	s4 =	smul.u32 $0xC80, s2  }
0x7: {  	s6 =	sadd.s32 $0xA00, s3;
	s0 =	ssub.s32 $0x2, s0;
	s5 =	smul.u32 $0x320000, s2  }
0x8: {  	_ =	strace $0x80000047;
	s2 =	smul.u32 $0x64000, s2;
	s24 =	sshrl.u32 s0, $0x1  }
0x9: {  	s0 =	ssub.s32 s0, s24;
	s1 =	sadd.s32 s1, s4;
	s11 =	sshrl.u32 s5, $0x3  }
0xa: {  	s12 =	sadd.s32 s6, s2;
	s0 =	smax.u32 s0, $0x1;
	[dreg:$0x3] =	wrdreg s1  }
0xb: {  	s5 =	sadd.s32 s6, s11;
	[dreg:$0x4] =	wrdreg s12;
	p1 =	sne.s32 s0, $0x1  }
0xc: {  	s1 =	sadd.s32 $0xFFFFFFFF, s0;
	s13 =	sadd.s32 $0x6400, s5;
	s0 =	rddreg [dreg:$0x3]  }
0xd: {  	s7 =	simm.s32 $0x4;
	s14 =	sadd.s32 $0xC800, s5;
	[dreg:$0x5] =	wrdreg s13  }
0xe: {  	s29 =	simm.s32 $0x12C0;
	s15 =	sadd.s32 $0x12C00, s5;
	[dreg:$0x6] =	wrdreg s14  }
0xf: {  	s28 =	simm.s32 $0x1900;
	s16 =	sadd.s32 $0x19000, s5;
	[dreg:$0x7] =	wrdreg s15  }
0x10: {  	p0 =	por $0x0, $0x0;
	s17 =	sadd.s32 $0x1F400, s5;
	[dreg:$0x8] =	wrdreg s16  }
0x11: {  	s24 =	simm.s32 $0x2BC0;
	s18 =	sadd.s32 $0x25800, s5;
	[dreg:$0x9] =	wrdreg s17  }
0x12: {  	s2 =	sadd.s32 $0xF42E00, s3;
	s19 =	sadd.s32 $0x2BC00, s5;
	[dreg:$0xa] =	wrdreg s18  }
0x13: {  	s12 =	simm.s32 $0x640;
	s20 =	sadd.s32 $0x32000, s5;
	[dreg:$0xb] =	wrdreg s19  }
0x14: {  	s6 =	simm.s32 $0x3;
	s21 =	sadd.s32 $0x38400, s5;
	[dreg:$0xc] =	wrdreg s20  }
0x15: {  	s22 =	sadd.s32 $0x3E800, s5;
	s25 =	sadd.s32 $0x44C00, s5;
	[dreg:$0xd] =	wrdreg s21  }
0x16: {  	s26 =	sadd.s32 $0x4B000, s5;
	s11 =	sadd.s32 $0x51400, s5;
	[dreg:$0xe] =	wrdreg s22  }
0x17: {  	s4 =	sadd.s32 $0x57800, s5;
	s3 =	sadd.s32 $0x5DC00, s5;
	[dreg:$0xf] =	wrdreg s25  }
.Ltmp0:
0x18: {  	s5 =	simm.s32 $0x12C00;
	[dreg:$0x10] =	wrdreg s26;
	(pc) =	sbr.rel @!p1 .LBB2_3-.Ltmp0, $4  }
0x19: {  	s13 =	simm.s32 $0x1;
	s14 =	simm.s32 $0x2;
	s26 =	simm.s32 $0x1F40  }
0x1a: {  	s25 =	simm.s32 $0x2580;
	s22 =	simm.s32 $0x3200;
	s21 =	simm.s32 $0x3840  }
0x1b: {  	s20 =	simm.s32 $0x3E80;
	s19 =	simm.s32 $0x44C0;
	s18 =	simm.s32 $0x4B00  }
0x1c: {  	s17 =	simm.s32 $0x5140;
	s16 =	simm.s32 $0x5780;
	s15 =	simm.s32 $0x5DC0  }
0x1d: {  	[tilespmem:s23], [sflag:$0x5] =	stream.linear.gather [hbm4b:s0+s23], $0x6400, $0x38;
	[tilespmem:$0x1F400] =	vst v63  }
0x1e: {  	_ =	swait.ge [sflag:s31], $0x6400  }
0x1f: {  	[sflag:s31] =	ssyncset.done $0x0  }
0x20: {  	[sflag:s31] =	ssyncadd.s32 $0xFFFF9C00  }
0x21: {  	[tilespmem:s9], [sflag:$0x1] =	stream.indirect.gather [hbm4b:s2+s12], $0x20, s23, s12, $0xb8;
	[tilespmem:$0x1F400] =	vst v63  }
0x22: {  	_ = 	snop  }
0x23: {  	[tilespmem:s5], [sflag:$0x2] =	stream.indirect.gather [hbm4b:s2+s12], $0x20, s12, s12, $0xb8;
	[tilespmem:$0x1F400] =	vst v63  }
0x24: {  	_ =	swait.ge [sflag:s13], $0xC800  }
0x25: {  	[sflag:s13] =	ssyncset.done $0x0  }
0x26: {  	s0 =	rddreg [dreg:$0x4];
	[sflag:s13] =	ssyncadd.s32 $0xFFFF3800  }
0x27: {  	[hbm4b:s0+s8] =	stream.strided.scatter [tilespmem:s9], [sflag:$0x3], $0xC800, s10, s8, $0x38;
	[tilespmem:$0x1F400] =	vst v63  }
0x28: {  	_ =	swait.ge [sflag:s6], $0xC800  }
0x29: {  	[sflag:s6] =	ssyncset.done $0x0  }
0x2a: {  	[sflag:s6] =	ssyncadd.s32 $0xFFFF3800  }
0x2b: {  	[tilespmem:s9], [sflag:$0x1] =	stream.indirect.gather [hbm4b:s2+s12], $0x20, s30, s12, $0xb8;
	[tilespmem:$0x1F400] =	vst v63  }
0x2c: {  	_ =	swait.ge [sflag:s14], $0xC800  }
0x2d: {  	[sflag:s14] =	ssyncset.done $0x0  }
0x2e: {  	s0 =	rddreg [dreg:$0x5];
	[sflag:s14] =	ssyncadd.s32 $0xFFFF3800  }
0x2f: {  	[hbm4b:s0+s8] =	stream.strided.scatter [tilespmem:s5], [sflag:$0x4], $0xC800, s10, s8, $0x38;
	[tilespmem:$0x1F400] =	vst v63  }
0x30: {  	_ =	swait.ge [sflag:s7], $0xC800  }
0x31: {  	[sflag:s7] =	ssyncset.done $0x0  }
0x32: {  	[sflag:s7] =	ssyncadd.s32 $0xFFFF3800  }
0x33: {  	[tilespmem:s5], [sflag:$0x2] =	stream.indirect.gather [hbm4b:s2+s12], $0x20, s29, s12, $0xb8;
	[tilespmem:$0x1F400] =	vst v63  }
0x34: {  	_ =	swait.ge [sflag:s13], $0xC800  }
0x35: {  	[sflag:s13] =	ssyncset.done $0x0  }
0x36: {  	s0 =	rddreg [dreg:$0x6];
	[sflag:s13] =	ssyncadd.s32 $0xFFFF3800  }
0x37: {  	[hbm4b:s0+s8] =	stream.strided.scatter [tilespmem:s9], [sflag:$0x3], $0xC800, s10, s8, $0x38;
	[tilespmem:$0x1F400] =	vst v63  }
0x38: {  	_ =	swait.ge [sflag:s6], $0xC800  }
0x39: {  	[sflag:s6] =	ssyncset.done $0x0  }
0x3a: {  	[sflag:s6] =	ssyncadd.s32 $0xFFFF3800  }
0x3b: {  	[tilespmem:s9], [sflag:$0x1] =	stream.indirect.gather [hbm4b:s2+s12], $0x20, s28, s12, $0xb8;
	[tilespmem:$0x1F400] =	vst v63  }
0x3c: {  	_ =	swait.ge [sflag:s14], $0xC800  }
0x3d: {  	[sflag:s14] =	ssyncset.done $0x0  }
0x3e: {  	s0 =	rddreg [dreg:$0x7];
	[sflag:s14] =	ssyncadd.s32 $0xFFFF3800  }
0x3f: {  	[hbm4b:s0+s8] =	stream.strided.scatter [tilespmem:s5], [sflag:$0x4], $0xC800, s10, s8, $0x38;
	[tilespmem:$0x1F400] =	vst v63  }
0x40: {  	_ =	swait.ge [sflag:s7], $0xC800  }
0x41: {  	[sflag:s7] =	ssyncset.done $0x0  }
0x42: {  	[sflag:s7] =	ssyncadd.s32 $0xFFFF3800  }
0x43: {  	[tilespmem:s5], [sflag:$0x2] =	stream.indirect.gather [hbm4b:s2+s12], $0x20, s26, s12, $0xb8;
	[tilespmem:$0x1F400] =	vst v63  }
0x44: {  	_ =	swait.ge [sflag:s13], $0xC800  }
0x45: {  	[sflag:s13] =	ssyncset.done $0x0  }
0x46: {  	s0 =	rddreg [dreg:$0x8];
	[sflag:s13] =	ssyncadd.s32 $0xFFFF3800  }
0x47: {  	[hbm4b:s0+s8] =	stream.strided.scatter [tilespmem:s9], [sflag:$0x3], $0xC800, s10, s8, $0x38;
	[tilespmem:$0x1F400] =	vst v63  }
0x48: {  	_ =	swait.ge [sflag:s6], $0xC800  }
0x49: {  	[sflag:s6] =	ssyncset.done $0x0  }
0x4a: {  	[sflag:s6] =	ssyncadd.s32 $0xFFFF3800  }
0x4b: {  	[tilespmem:s9], [sflag:$0x1] =	stream.indirect.gather [hbm4b:s2+s12], $0x20, s25, s12, $0xb8;
	[tilespmem:$0x1F400] =	vst v63  }
0x4c: {  	_ =	swait.ge [sflag:s14], $0xC800  }
0x4d: {  	[sflag:s14] =	ssyncset.done $0x0  }
0x4e: {  	s0 =	rddreg [dreg:$0x9];
	[sflag:s14] =	ssyncadd.s32 $0xFFFF3800  }
0x4f: {  	[hbm4b:s0+s8] =	stream.strided.scatter [tilespmem:s5], [sflag:$0x4], $0xC800, s10, s8, $0x38;
	[tilespmem:$0x1F400] =	vst v63  }
0x50: {  	_ =	swait.ge [sflag:s7], $0xC800  }
0x51: {  	[sflag:s7] =	ssyncset.done $0x0  }
0x52: {  	[sflag:s7] =	ssyncadd.s32 $0xFFFF3800  }
0x53: {  	[tilespmem:s5], [sflag:$0x2] =	stream.indirect.gather [hbm4b:s2+s12], $0x20, s24, s12, $0xb8;
	[tilespmem:$0x1F400] =	vst v63  }
0x54: {  	_ =	swait.ge [sflag:s13], $0xC800  }
0x55: {  	[sflag:s13] =	ssyncset.done $0x0  }
0x56: {  	s0 =	rddreg [dreg:$0xa];
	[sflag:s13] =	ssyncadd.s32 $0xFFFF3800  }
0x57: {  	[hbm4b:s0+s8] =	stream.strided.scatter [tilespmem:s9], [sflag:$0x3], $0xC800, s10, s8, $0x38;
	[tilespmem:$0x1F400] =	vst v63  }
0x58: {  	_ =	swait.ge [sflag:s6], $0xC800  }
0x59: {  	[sflag:s6] =	ssyncset.done $0x0  }
0x5a: {  	[sflag:s6] =	ssyncadd.s32 $0xFFFF3800  }
0x5b: {  	[tilespmem:s9], [sflag:$0x1] =	stream.indirect.gather [hbm4b:s2+s12], $0x20, s22, s12, $0xb8;
	[tilespmem:$0x1F400] =	vst v63  }
0x5c: {  	_ =	swait.ge [sflag:s14], $0xC800  }
0x5d: {  	[sflag:s14] =	ssyncset.done $0x0  }
0x5e: {  	s0 =	rddreg [dreg:$0xb];
	[sflag:s14] =	ssyncadd.s32 $0xFFFF3800  }
0x5f: {  	[hbm4b:s0+s8] =	stream.strided.scatter [tilespmem:s5], [sflag:$0x4], $0xC800, s10, s8, $0x38;
	[tilespmem:$0x1F400] =	vst v63  }
0x60: {  	_ =	swait.ge [sflag:s7], $0xC800  }
0x61: {  	[sflag:s7] =	ssyncset.done $0x0  }
0x62: {  	[sflag:s7] =	ssyncadd.s32 $0xFFFF3800  }
0x63: {  	[tilespmem:s5], [sflag:$0x2] =	stream.indirect.gather [hbm4b:s2+s12], $0x20, s21, s12, $0xb8;
	[tilespmem:$0x1F400] =	vst v63  }
0x64: {  	_ =	swait.ge [sflag:s13], $0xC800  }
0x65: {  	[sflag:s13] =	ssyncset.done $0x0  }
0x66: {  	s0 =	rddreg [dreg:$0xc];
	[sflag:s13] =	ssyncadd.s32 $0xFFFF3800  }
0x67: {  	[hbm4b:s0+s8] =	stream.strided.scatter [tilespmem:s9], [sflag:$0x3], $0xC800, s10, s8, $0x38;
	[tilespmem:$0x1F400] =	vst v63  }
0x68: {  	_ =	swait.ge [sflag:s6], $0xC800  }
0x69: {  	[sflag:s6] =	ssyncset.done $0x0  }
0x6a: {  	[sflag:s6] =	ssyncadd.s32 $0xFFFF3800  }
0x6b: {  	[tilespmem:s9], [sflag:$0x1] =	stream.indirect.gather [hbm4b:s2+s12], $0x20, s20, s12, $0xb8;
	[tilespmem:$0x1F400] =	vst v63  }
0x6c: {  	_ =	swait.ge [sflag:s14], $0xC800  }
0x6d: {  	[sflag:s14] =	ssyncset.done $0x0  }
0x6e: {  	s0 =	rddreg [dreg:$0xd];
	[sflag:s14] =	ssyncadd.s32 $0xFFFF3800  }
0x6f: {  	[hbm4b:s0+s8] =	stream.strided.scatter [tilespmem:s5], [sflag:$0x4], $0xC800, s10, s8, $0x38;
	[tilespmem:$0x1F400] =	vst v63  }
0x70: {  	_ =	swait.ge [sflag:s7], $0xC800  }
0x71: {  	[sflag:s7] =	ssyncset.done $0x0  }
0x72: {  	[sflag:s7] =	ssyncadd.s32 $0xFFFF3800  }
0x73: {  	[tilespmem:s5], [sflag:$0x2] =	stream.indirect.gather [hbm4b:s2+s12], $0x20, s19, s12, $0xb8;
	[tilespmem:$0x1F400] =	vst v63  }
0x74: {  	_ =	swait.ge [sflag:s13], $0xC800  }
0x75: {  	[sflag:s13] =	ssyncset.done $0x0  }
0x76: {  	s0 =	rddreg [dreg:$0xe];
	[sflag:s13] =	ssyncadd.s32 $0xFFFF3800  }
0x77: {  	[hbm4b:s0+s8] =	stream.strided.scatter [tilespmem:s9], [sflag:$0x3], $0xC800, s10, s8, $0x38;
	[tilespmem:$0x1F400] =	vst v63  }
0x78: {  	_ =	swait.ge [sflag:s6], $0xC800  }
0x79: {  	[sflag:s6] =	ssyncset.done $0x0  }
0x7a: {  	[sflag:s6] =	ssyncadd.s32 $0xFFFF3800  }
0x7b: {  	[tilespmem:s9], [sflag:$0x1] =	stream.indirect.gather [hbm4b:s2+s12], $0x20, s18, s12, $0xb8;
	[tilespmem:$0x1F400] =	vst v63  }
0x7c: {  	_ =	swait.ge [sflag:s14], $0xC800  }
0x7d: {  	[sflag:s14] =	ssyncset.done $0x0  }
0x7e: {  	s0 =	rddreg [dreg:$0xf];
	[sflag:s14] =	ssyncadd.s32 $0xFFFF3800  }
0x7f: {  	[hbm4b:s0+s8] =	stream.strided.scatter [tilespmem:s5], [sflag:$0x4], $0xC800, s10, s8, $0x38;
	[tilespmem:$0x1F400] =	vst v63  }
0x80: {  	_ =	swait.ge [sflag:s7], $0xC800  }
0x81: {  	[sflag:s7] =	ssyncset.done $0x0  }
0x82: {  	[sflag:s7] =	ssyncadd.s32 $0xFFFF3800  }
0x83: {  	[tilespmem:s5], [sflag:$0x2] =	stream.indirect.gather [hbm4b:s2+s12], $0x20, s17, s12, $0xb8;
	[tilespmem:$0x1F400] =	vst v63  }
0x84: {  	_ =	swait.ge [sflag:s13], $0xC800  }
0x85: {  	[sflag:s13] =	ssyncset.done $0x0  }
0x86: {  	s0 =	rddreg [dreg:$0x10];
	[sflag:s13] =	ssyncadd.s32 $0xFFFF3800  }
0x87: {  	[hbm4b:s0+s8] =	stream.strided.scatter [tilespmem:s9], [sflag:$0x3], $0xC800, s10, s8, $0x38;
	[tilespmem:$0x1F400] =	vst v63  }
0x88: {  	_ =	swait.ge [sflag:s6], $0xC800  }
0x89: {  	[sflag:s6] =	ssyncset.done $0x0  }
0x8a: {  	[sflag:s6] =	ssyncadd.s32 $0xFFFF3800  }
0x8b: {  	[tilespmem:s9], [sflag:$0x1] =	stream.indirect.gather [hbm4b:s2+s12], $0x20, s16, s12, $0xb8;
	[tilespmem:$0x1F400] =	vst v63  }
0x8c: {  	_ =	swait.ge [sflag:s14], $0xC800  }
0x8d: {  	[sflag:s14] =	ssyncset.done $0x0  }
0x8e: {  	[sflag:s14] =	ssyncadd.s32 $0xFFFF3800  }
0x8f: {  	[hbm4b:s11+s8] =	stream.strided.scatter [tilespmem:s5], [sflag:$0x4], $0xC800, s10, s8, $0x38;
	[tilespmem:$0x1F400] =	vst v63  }
0x90: {  	_ =	swait.ge [sflag:s7], $0xC800  }
0x91: {  	[sflag:s7] =	ssyncset.done $0x0  }
0x92: {  	[sflag:s7] =	ssyncadd.s32 $0xFFFF3800  }
0x93: {  	[tilespmem:s5], [sflag:$0x2] =	stream.indirect.gather [hbm4b:s2+s12], $0x20, s15, s12, $0xb8;
	[tilespmem:$0x1F400] =	vst v63  }
0x94: {  	_ =	swait.ge [sflag:s13], $0xC800  }
0x95: {  	[sflag:s13] =	ssyncset.done $0x0  }
0x96: {  	[sflag:s13] =	ssyncadd.s32 $0xFFFF3800  }
0x97: {  	[hbm4b:s4+s8] =	stream.strided.scatter [tilespmem:s9], [sflag:$0x3], $0xC800, s10, s8, $0x38;
	[tilespmem:$0x1F400] =	vst v63  }
0x98: {  	_ =	swait.ge [sflag:s14], $0xC800  }
0x99: {  	[sflag:s14] =	ssyncset.done $0x0  }
0x9a: {  	p1 =	sne.s32 s1, $0x1;
	[sflag:s14] =	ssyncadd.s32 $0xFFFF3800  }
0x9b: {  	[hbm4b:s3+s8] =	stream.strided.scatter [tilespmem:s5], [sflag:$0x4], $0xC800, s10, s8, $0x38;
	[tilespmem:$0x1F400] =	vst v63  }
.Ltmp1:
0x9c: {  	_ =	swait.ge [sflag:s6], $0xC800;
	(pc) =	sbr.rel @!p1 .LBB2_3-.Ltmp1, $4  }
0x9d: {  	[sflag:s6] =	ssyncset.done $0x0  }
0x9e: {  	[sflag:s6] =	ssyncadd.s32 $0xFFFF3800  }
0x9f: {  	s1 =	sadd.s32 $0xFFFFFFFF, s1;
	_ =	swait.ge [sflag:s7], $0xC800  }
0xa0: {  	p0 =	por $0x1, $0x1;
	s0 =	rddreg [dreg:$0x3];
	[sflag:s7] =	ssyncset.done $0x0  }
.LBB2_2:
0xa1: {  	[sflag:s7] =	ssyncadd.s32 $0xFFFF3800  }
0xa2: {  	[tilespmem:s23], [sflag:$0x5] =	stream.linear.gather [hbm4b:s0+s23], $0x6400, $0x38;
	[tilespmem:$0x1F400] =	vst v63  }
0xa3: {  	_ =	swait.ge [sflag:s31], $0x6400  }
0xa4: {  	[sflag:s31] =	ssyncset.done $0x0  }
0xa5: {  	[sflag:s31] =	ssyncadd.s32 $0xFFFF9C00  }
0xa6: {  	[tilespmem:s9], [sflag:$0x1] =	stream.indirect.gather [hbm4b:s2+s12], $0x20, s23, s12, $0xb8;
	[tilespmem:$0x1F400] =	vst v63  }
0xa7: {  	_ = 	snop  }
0xa8: {  	[tilespmem:s5], [sflag:$0x2] =	stream.indirect.gather [hbm4b:s2+s12], $0x20, s12, s12, $0xb8;
	[tilespmem:$0x1F400] =	vst v63  }
0xa9: {  	_ =	swait.ge [sflag:s13], $0xC800  }
0xaa: {  	[sflag:s13] =	ssyncset.done $0x0  }
0xab: {  	s0 =	rddreg [dreg:$0x4];
	[sflag:s13] =	ssyncadd.s32 $0xFFFF3800  }
0xac: {  	[hbm4b:s0+s8] =	stream.strided.scatter [tilespmem:s9], [sflag:$0x3], $0xC800, s10, s8, $0x38;
	[tilespmem:$0x1F400] =	vst v63  }
0xad: {  	_ =	swait.ge [sflag:s6], $0xC800  }
0xae: {  	[sflag:s6] =	ssyncset.done $0x0  }
0xaf: {  	[sflag:s6] =	ssyncadd.s32 $0xFFFF3800  }
0xb0: {  	[tilespmem:s9], [sflag:$0x1] =	stream.indirect.gather [hbm4b:s2+s12], $0x20, s30, s12, $0xb8;
	[tilespmem:$0x1F400] =	vst v63  }
0xb1: {  	_ =	swait.ge [sflag:s14], $0xC800  }
0xb2: {  	[sflag:s14] =	ssyncset.done $0x0  }
0xb3: {  	s0 =	rddreg [dreg:$0x5];
	[sflag:s14] =	ssyncadd.s32 $0xFFFF3800  }
0xb4: {  	[hbm4b:s0+s8] =	stream.strided.scatter [tilespmem:s5], [sflag:$0x4], $0xC800, s10, s8, $0x38;
	[tilespmem:$0x1F400] =	vst v63  }
0xb5: {  	_ =	swait.ge [sflag:s7], $0xC800  }
0xb6: {  	[sflag:s7] =	ssyncset.done $0x0  }
0xb7: {  	[sflag:s7] =	ssyncadd.s32 $0xFFFF3800  }
0xb8: {  	[tilespmem:s5], [sflag:$0x2] =	stream.indirect.gather [hbm4b:s2+s12], $0x20, s29, s12, $0xb8;
	[tilespmem:$0x1F400] =	vst v63  }
0xb9: {  	_ =	swait.ge [sflag:s13], $0xC800  }
0xba: {  	[sflag:s13] =	ssyncset.done $0x0  }
0xbb: {  	s0 =	rddreg [dreg:$0x6];
	[sflag:s13] =	ssyncadd.s32 $0xFFFF3800  }
0xbc: {  	[hbm4b:s0+s8] =	stream.strided.scatter [tilespmem:s9], [sflag:$0x3], $0xC800, s10, s8, $0x38;
	[tilespmem:$0x1F400] =	vst v63  }
0xbd: {  	_ =	swait.ge [sflag:s6], $0xC800  }
0xbe: {  	[sflag:s6] =	ssyncset.done $0x0  }
0xbf: {  	[sflag:s6] =	ssyncadd.s32 $0xFFFF3800  }
0xc0: {  	[tilespmem:s9], [sflag:$0x1] =	stream.indirect.gather [hbm4b:s2+s12], $0x20, s28, s12, $0xb8;
	[tilespmem:$0x1F400] =	vst v63  }
0xc1: {  	_ =	swait.ge [sflag:s14], $0xC800  }
0xc2: {  	[sflag:s14] =	ssyncset.done $0x0  }
0xc3: {  	s0 =	rddreg [dreg:$0x7];
	[sflag:s14] =	ssyncadd.s32 $0xFFFF3800  }
0xc4: {  	[hbm4b:s0+s8] =	stream.strided.scatter [tilespmem:s5], [sflag:$0x4], $0xC800, s10, s8, $0x38;
	[tilespmem:$0x1F400] =	vst v63  }
0xc5: {  	_ =	swait.ge [sflag:s7], $0xC800  }
0xc6: {  	[sflag:s7] =	ssyncset.done $0x0  }
0xc7: {  	[sflag:s7] =	ssyncadd.s32 $0xFFFF3800  }
0xc8: {  	[tilespmem:s5], [sflag:$0x2] =	stream.indirect.gather [hbm4b:s2+s12], $0x20, s26, s12, $0xb8;
	[tilespmem:$0x1F400] =	vst v63  }
0xc9: {  	_ =	swait.ge [sflag:s13], $0xC800  }
0xca: {  	[sflag:s13] =	ssyncset.done $0x0  }
0xcb: {  	s0 =	rddreg [dreg:$0x8];
	[sflag:s13] =	ssyncadd.s32 $0xFFFF3800  }
0xcc: {  	[hbm4b:s0+s8] =	stream.strided.scatter [tilespmem:s9], [sflag:$0x3], $0xC800, s10, s8, $0x38;
	[tilespmem:$0x1F400] =	vst v63  }
0xcd: {  	_ =	swait.ge [sflag:s6], $0xC800  }
0xce: {  	[sflag:s6] =	ssyncset.done $0x0  }
0xcf: {  	[sflag:s6] =	ssyncadd.s32 $0xFFFF3800  }
0xd0: {  	[tilespmem:s9], [sflag:$0x1] =	stream.indirect.gather [hbm4b:s2+s12], $0x20, s25, s12, $0xb8;
	[tilespmem:$0x1F400] =	vst v63  }
0xd1: {  	_ =	swait.ge [sflag:s14], $0xC800  }
0xd2: {  	[sflag:s14] =	ssyncset.done $0x0  }
0xd3: {  	s0 =	rddreg [dreg:$0x9];
	[sflag:s14] =	ssyncadd.s32 $0xFFFF3800  }
0xd4: {  	[hbm4b:s0+s8] =	stream.strided.scatter [tilespmem:s5], [sflag:$0x4], $0xC800, s10, s8, $0x38;
	[tilespmem:$0x1F400] =	vst v63  }
0xd5: {  	_ =	swait.ge [sflag:s7], $0xC800  }
0xd6: {  	[sflag:s7] =	ssyncset.done $0x0  }
0xd7: {  	[sflag:s7] =	ssyncadd.s32 $0xFFFF3800  }
0xd8: {  	[tilespmem:s5], [sflag:$0x2] =	stream.indirect.gather [hbm4b:s2+s12], $0x20, s24, s12, $0xb8;
	[tilespmem:$0x1F400] =	vst v63  }
0xd9: {  	_ =	swait.ge [sflag:s13], $0xC800  }
0xda: {  	[sflag:s13] =	ssyncset.done $0x0  }
0xdb: {  	s0 =	rddreg [dreg:$0xa];
	[sflag:s13] =	ssyncadd.s32 $0xFFFF3800  }
0xdc: {  	[hbm4b:s0+s8] =	stream.strided.scatter [tilespmem:s9], [sflag:$0x3], $0xC800, s10, s8, $0x38;
	[tilespmem:$0x1F400] =	vst v63  }
0xdd: {  	_ =	swait.ge [sflag:s6], $0xC800  }
0xde: {  	[sflag:s6] =	ssyncset.done $0x0  }
0xdf: {  	[sflag:s6] =	ssyncadd.s32 $0xFFFF3800  }
0xe0: {  	[tilespmem:s9], [sflag:$0x1] =	stream.indirect.gather [hbm4b:s2+s12], $0x20, s22, s12, $0xb8;
	[tilespmem:$0x1F400] =	vst v63  }
0xe1: {  	_ =	swait.ge [sflag:s14], $0xC800  }
0xe2: {  	[sflag:s14] =	ssyncset.done $0x0  }
0xe3: {  	s0 =	rddreg [dreg:$0xb];
	[sflag:s14] =	ssyncadd.s32 $0xFFFF3800  }
0xe4: {  	[hbm4b:s0+s8] =	stream.strided.scatter [tilespmem:s5], [sflag:$0x4], $0xC800, s10, s8, $0x38;
	[tilespmem:$0x1F400] =	vst v63  }
0xe5: {  	_ =	swait.ge [sflag:s7], $0xC800  }
0xe6: {  	[sflag:s7] =	ssyncset.done $0x0  }
0xe7: {  	[sflag:s7] =	ssyncadd.s32 $0xFFFF3800  }
0xe8: {  	[tilespmem:s5], [sflag:$0x2] =	stream.indirect.gather [hbm4b:s2+s12], $0x20, s21, s12, $0xb8;
	[tilespmem:$0x1F400] =	vst v63  }
0xe9: {  	_ =	swait.ge [sflag:s13], $0xC800  }
0xea: {  	[sflag:s13] =	ssyncset.done $0x0  }
0xeb: {  	s0 =	rddreg [dreg:$0xc];
	[sflag:s13] =	ssyncadd.s32 $0xFFFF3800  }
0xec: {  	[hbm4b:s0+s8] =	stream.strided.scatter [tilespmem:s9], [sflag:$0x3], $0xC800, s10, s8, $0x38;
	[tilespmem:$0x1F400] =	vst v63  }
0xed: {  	_ =	swait.ge [sflag:s6], $0xC800  }
0xee: {  	[sflag:s6] =	ssyncset.done $0x0  }
0xef: {  	[sflag:s6] =	ssyncadd.s32 $0xFFFF3800  }
0xf0: {  	[tilespmem:s9], [sflag:$0x1] =	stream.indirect.gather [hbm4b:s2+s12], $0x20, s20, s12, $0xb8;
	[tilespmem:$0x1F400] =	vst v63  }
0xf1: {  	_ =	swait.ge [sflag:s14], $0xC800  }
0xf2: {  	[sflag:s14] =	ssyncset.done $0x0  }
0xf3: {  	s0 =	rddreg [dreg:$0xd];
	[sflag:s14] =	ssyncadd.s32 $0xFFFF3800  }
0xf4: {  	[hbm4b:s0+s8] =	stream.strided.scatter [tilespmem:s5], [sflag:$0x4], $0xC800, s10, s8, $0x38;
	[tilespmem:$0x1F400] =	vst v63  }
0xf5: {  	_ =	swait.ge [sflag:s7], $0xC800  }
0xf6: {  	[sflag:s7] =	ssyncset.done $0x0  }
0xf7: {  	[sflag:s7] =	ssyncadd.s32 $0xFFFF3800  }
0xf8: {  	[tilespmem:s5], [sflag:$0x2] =	stream.indirect.gather [hbm4b:s2+s12], $0x20, s19, s12, $0xb8;
	[tilespmem:$0x1F400] =	vst v63  }
0xf9: {  	_ =	swait.ge [sflag:s13], $0xC800  }
0xfa: {  	[sflag:s13] =	ssyncset.done $0x0  }
0xfb: {  	s0 =	rddreg [dreg:$0xe];
	[sflag:s13] =	ssyncadd.s32 $0xFFFF3800  }
0xfc: {  	[hbm4b:s0+s8] =	stream.strided.scatter [tilespmem:s9], [sflag:$0x3], $0xC800, s10, s8, $0x38;
	[tilespmem:$0x1F400] =	vst v63  }
0xfd: {  	_ =	swait.ge [sflag:s6], $0xC800  }
0xfe: {  	[sflag:s6] =	ssyncset.done $0x0  }
0xff: {  	[sflag:s6] =	ssyncadd.s32 $0xFFFF3800  }
0x100: {  	[tilespmem:s9], [sflag:$0x1] =	stream.indirect.gather [hbm4b:s2+s12], $0x20, s18, s12, $0xb8;
	[tilespmem:$0x1F400] =	vst v63  }
0x101: {  	_ =	swait.ge [sflag:s14], $0xC800  }
0x102: {  	[sflag:s14] =	ssyncset.done $0x0  }
0x103: {  	s0 =	rddreg [dreg:$0xf];
	[sflag:s14] =	ssyncadd.s32 $0xFFFF3800  }
0x104: {  	[hbm4b:s0+s8] =	stream.strided.scatter [tilespmem:s5], [sflag:$0x4], $0xC800, s10, s8, $0x38;
	[tilespmem:$0x1F400] =	vst v63  }
0x105: {  	_ =	swait.ge [sflag:s7], $0xC800  }
0x106: {  	[sflag:s7] =	ssyncset.done $0x0  }
0x107: {  	[sflag:s7] =	ssyncadd.s32 $0xFFFF3800  }
0x108: {  	[tilespmem:s5], [sflag:$0x2] =	stream.indirect.gather [hbm4b:s2+s12], $0x20, s17, s12, $0xb8;
	[tilespmem:$0x1F400] =	vst v63  }
0x109: {  	_ =	swait.ge [sflag:s13], $0xC800  }
0x10a: {  	[sflag:s13] =	ssyncset.done $0x0  }
0x10b: {  	s0 =	rddreg [dreg:$0x10];
	[sflag:s13] =	ssyncadd.s32 $0xFFFF3800  }
0x10c: {  	[hbm4b:s0+s8] =	stream.strided.scatter [tilespmem:s9], [sflag:$0x3], $0xC800, s10, s8, $0x38;
	[tilespmem:$0x1F400] =	vst v63  }
0x10d: {  	_ =	swait.ge [sflag:s6], $0xC800  }
0x10e: {  	[sflag:s6] =	ssyncset.done $0x0  }
0x10f: {  	[sflag:s6] =	ssyncadd.s32 $0xFFFF3800  }
0x110: {  	[tilespmem:s9], [sflag:$0x1] =	stream.indirect.gather [hbm4b:s2+s12], $0x20, s16, s12, $0xb8;
	[tilespmem:$0x1F400] =	vst v63  }
0x111: {  	_ =	swait.ge [sflag:s14], $0xC800  }
0x112: {  	[sflag:s14] =	ssyncset.done $0x0  }
0x113: {  	[sflag:s14] =	ssyncadd.s32 $0xFFFF3800  }
0x114: {  	[hbm4b:s11+s8] =	stream.strided.scatter [tilespmem:s5], [sflag:$0x4], $0xC800, s10, s8, $0x38;
	[tilespmem:$0x1F400] =	vst v63  }
0x115: {  	_ =	swait.ge [sflag:s7], $0xC800  }
0x116: {  	[sflag:s7] =	ssyncset.done $0x0  }
0x117: {  	[sflag:s7] =	ssyncadd.s32 $0xFFFF3800  }
0x118: {  	[tilespmem:s5], [sflag:$0x2] =	stream.indirect.gather [hbm4b:s2+s12], $0x20, s15, s12, $0xb8;
	[tilespmem:$0x1F400] =	vst v63  }
0x119: {  	_ =	swait.ge [sflag:s13], $0xC800  }
0x11a: {  	[sflag:s13] =	ssyncset.done $0x0  }
0x11b: {  	[sflag:s13] =	ssyncadd.s32 $0xFFFF3800  }
0x11c: {  	[hbm4b:s4+s8] =	stream.strided.scatter [tilespmem:s9], [sflag:$0x3], $0xC800, s10, s8, $0x38;
	[tilespmem:$0x1F400] =	vst v63  }
0x11d: {  	_ =	swait.ge [sflag:s14], $0xC800  }
0x11e: {  	[sflag:s14] =	ssyncset.done $0x0  }
0x11f: {  	p1 =	sne.s32 s1, $0x1;
	[sflag:s14] =	ssyncadd.s32 $0xFFFF3800  }
0x120: {  	[hbm4b:s3+s8] =	stream.strided.scatter [tilespmem:s5], [sflag:$0x4], $0xC800, s10, s8, $0x38;
	[tilespmem:$0x1F400] =	vst v63  }
.Ltmp2:
0x121: {  	_ =	swait.ge [sflag:s6], $0xC800;
	(pc) =	sbr.rel @p1 .LBB2_2-.Ltmp2, $4  }
0x122: {  	[sflag:s6] =	ssyncset.done $0x0  }
0x123: {  	[sflag:s6] =	ssyncadd.s32 $0xFFFF3800  }
0x124: {  	_ =	swait.ge [sflag:s7], $0xC800  }
0x125: {  	s1 =	sadd.s32 $0xFFFFFFFF, s1;
	s0 =	rddreg [dreg:$0x3];
	[sflag:s7] =	ssyncset.done $0x0  }
.LBB2_3:
0x126: {  	[sflag:s7] =	ssyncadd.s32 @p0 $0xFFFF3800  }
0x127: {  	[tilespmem:s23], [sflag:$0x5] =	stream.linear.gather [hbm4b:s0+s23], $0x6400, $0x38;
	[tilespmem:$0x1F400] =	vst v63  }
0x128: {  	_ =	swait.ge [sflag:s31], $0x6400  }
0x129: {  	[sflag:s31] =	ssyncset.done $0x0  }
0x12a: {  	[sflag:s31] =	ssyncadd.s32 $0xFFFF9C00  }
0x12b: {  	[tilespmem:s9], [sflag:$0x1] =	stream.indirect.gather [hbm4b:s2+s12], $0x20, s23, s12, $0xb8;
	[tilespmem:$0x1F400] =	vst v63  }
0x12c: {  	_ = 	snop  }
0x12d: {  	[tilespmem:s5], [sflag:$0x2] =	stream.indirect.gather [hbm4b:s2+s12], $0x20, s12, s12, $0xb8;
	[tilespmem:$0x1F400] =	vst v63  }
0x12e: {  	_ =	swait.ge [sflag:s13], $0xC800  }
0x12f: {  	[sflag:s13] =	ssyncset.done $0x0  }
0x130: {  	s1 =	rddreg [dreg:$0x4];
	[sflag:s13] =	ssyncadd.s32 $0xFFFF3800  }
0x131: {  	[hbm4b:s1+s8] =	stream.strided.scatter [tilespmem:s9], [sflag:$0x3], $0xC800, s10, s8, $0x38;
	[tilespmem:$0x1F400] =	vst v63  }
0x132: {  	_ =	swait.ge [sflag:s6], $0xC800  }
0x133: {  	[sflag:s6] =	ssyncset.done $0x0  }
0x134: {  	[sflag:s6] =	ssyncadd.s32 $0xFFFF3800  }
0x135: {  	[tilespmem:s9], [sflag:$0x1] =	stream.indirect.gather [hbm4b:s2+s12], $0x20, s30, s12, $0xb8;
	[tilespmem:$0x1F400] =	vst v63  }
0x136: {  	_ =	swait.ge [sflag:s14], $0xC800  }
0x137: {  	[sflag:s14] =	ssyncset.done $0x0  }
0x138: {  	s23 =	rddreg [dreg:$0x5];
	[sflag:s14] =	ssyncadd.s32 $0xFFFF3800  }
0x139: {  	[hbm4b:s23+s8] =	stream.strided.scatter [tilespmem:s5], [sflag:$0x4], $0xC800, s10, s8, $0x38;
	[tilespmem:$0x1F400] =	vst v63  }
0x13a: {  	_ =	swait.ge [sflag:s7], $0xC800  }
0x13b: {  	[sflag:s7] =	ssyncset.done $0x0  }
0x13c: {  	[sflag:s7] =	ssyncadd.s32 $0xFFFF3800  }
0x13d: {  	[tilespmem:s5], [sflag:$0x2] =	stream.indirect.gather [hbm4b:s2+s12], $0x20, s29, s12, $0xb8;
	[tilespmem:$0x1F400] =	vst v63  }
0x13e: {  	_ =	swait.ge [sflag:s13], $0xC800  }
0x13f: {  	[sflag:s13] =	ssyncset.done $0x0  }
0x140: {  	s29 =	rddreg [dreg:$0x6];
	[sflag:s13] =	ssyncadd.s32 $0xFFFF3800  }
0x141: {  	[hbm4b:s29+s8] =	stream.strided.scatter [tilespmem:s9], [sflag:$0x3], $0xC800, s10, s8, $0x38;
	[tilespmem:$0x1F400] =	vst v63  }
0x142: {  	_ =	swait.ge [sflag:s6], $0xC800  }
0x143: {  	[sflag:s6] =	ssyncset.done $0x0  }
0x144: {  	[sflag:s6] =	ssyncadd.s32 $0xFFFF3800  }
0x145: {  	[tilespmem:s9], [sflag:$0x1] =	stream.indirect.gather [hbm4b:s2+s12], $0x20, s28, s12, $0xb8;
	[tilespmem:$0x1F400] =	vst v63  }
0x146: {  	_ =	swait.ge [sflag:s14], $0xC800  }
0x147: {  	[sflag:s14] =	ssyncset.done $0x0  }
0x148: {  	s30 =	rddreg [dreg:$0x7];
	[sflag:s14] =	ssyncadd.s32 $0xFFFF3800  }
0x149: {  	[hbm4b:s30+s8] =	stream.strided.scatter [tilespmem:s5], [sflag:$0x4], $0xC800, s10, s8, $0x38;
	[tilespmem:$0x1F400] =	vst v63  }
0x14a: {  	_ =	swait.ge [sflag:s7], $0xC800  }
0x14b: {  	[sflag:s7] =	ssyncset.done $0x0  }
0x14c: {  	[sflag:s7] =	ssyncadd.s32 $0xFFFF3800  }
0x14d: {  	[tilespmem:s5], [sflag:$0x2] =	stream.indirect.gather [hbm4b:s2+s12], $0x20, s26, s12, $0xb8;
	[tilespmem:$0x1F400] =	vst v63  }
0x14e: {  	_ =	swait.ge [sflag:s13], $0xC800  }
0x14f: {  	[sflag:s13] =	ssyncset.done $0x0  }
0x150: {  	s31 =	rddreg [dreg:$0x8];
	[sflag:s13] =	ssyncadd.s32 $0xFFFF3800  }
0x151: {  	[hbm4b:s31+s8] =	stream.strided.scatter [tilespmem:s9], [sflag:$0x3], $0xC800, s10, s8, $0x38;
	[tilespmem:$0x1F400] =	vst v63  }
0x152: {  	_ =	swait.ge [sflag:s6], $0xC800  }
0x153: {  	[sflag:s6] =	ssyncset.done $0x0  }
0x154: {  	[sflag:s6] =	ssyncadd.s32 $0xFFFF3800  }
0x155: {  	[tilespmem:s9], [sflag:$0x1] =	stream.indirect.gather [hbm4b:s2+s12], $0x20, s25, s12, $0xb8;
	[tilespmem:$0x1F400] =	vst v63  }
0x156: {  	_ =	swait.ge [sflag:s14], $0xC800  }
0x157: {  	[sflag:s14] =	ssyncset.done $0x0  }
0x158: {  	s1 =	rddreg [dreg:$0x9];
	[sflag:s14] =	ssyncadd.s32 $0xFFFF3800  }
0x159: {  	[hbm4b:s1+s8] =	stream.strided.scatter [tilespmem:s5], [sflag:$0x4], $0xC800, s10, s8, $0x38;
	[tilespmem:$0x1F400] =	vst v63  }
0x15a: {  	_ =	swait.ge [sflag:s7], $0xC800  }
0x15b: {  	[sflag:s7] =	ssyncset.done $0x0  }
0x15c: {  	[sflag:s7] =	ssyncadd.s32 $0xFFFF3800  }
0x15d: {  	[tilespmem:s5], [sflag:$0x2] =	stream.indirect.gather [hbm4b:s2+s12], $0x20, s24, s12, $0xb8;
	[tilespmem:$0x1F400] =	vst v63  }
0x15e: {  	_ =	swait.ge [sflag:s13], $0xC800  }
0x15f: {  	[sflag:s13] =	ssyncset.done $0x0  }
0x160: {  	s23 =	rddreg [dreg:$0xa];
	[sflag:s13] =	ssyncadd.s32 $0xFFFF3800  }
0x161: {  	[hbm4b:s23+s8] =	stream.strided.scatter [tilespmem:s9], [sflag:$0x3], $0xC800, s10, s8, $0x38;
	[tilespmem:$0x1F400] =	vst v63  }
0x162: {  	_ =	swait.ge [sflag:s6], $0xC800  }
0x163: {  	[sflag:s6] =	ssyncset.done $0x0  }
0x164: {  	[sflag:s6] =	ssyncadd.s32 $0xFFFF3800  }
0x165: {  	[tilespmem:s9], [sflag:$0x1] =	stream.indirect.gather [hbm4b:s2+s12], $0x20, s22, s12, $0xb8;
	[tilespmem:$0x1F400] =	vst v63  }
0x166: {  	_ =	swait.ge [sflag:s14], $0xC800  }
0x167: {  	[sflag:s14] =	ssyncset.done $0x0  }
0x168: {  	s24 =	rddreg [dreg:$0xb];
	[sflag:s14] =	ssyncadd.s32 $0xFFFF3800  }
0x169: {  	[hbm4b:s24+s8] =	stream.strided.scatter [tilespmem:s5], [sflag:$0x4], $0xC800, s10, s8, $0x38;
	[tilespmem:$0x1F400] =	vst v63  }
0x16a: {  	_ =	swait.ge [sflag:s7], $0xC800  }
0x16b: {  	[sflag:s7] =	ssyncset.done $0x0  }
0x16c: {  	[sflag:s7] =	ssyncadd.s32 $0xFFFF3800  }
0x16d: {  	[tilespmem:s5], [sflag:$0x2] =	stream.indirect.gather [hbm4b:s2+s12], $0x20, s21, s12, $0xb8;
	[tilespmem:$0x1F400] =	vst v63  }
0x16e: {  	_ =	swait.ge [sflag:s13], $0xC800  }
0x16f: {  	[sflag:s13] =	ssyncset.done $0x0  }
0x170: {  	s25 =	rddreg [dreg:$0xc];
	[sflag:s13] =	ssyncadd.s32 $0xFFFF3800  }
0x171: {  	[hbm4b:s25+s8] =	stream.strided.scatter [tilespmem:s9], [sflag:$0x3], $0xC800, s10, s8, $0x38;
	[tilespmem:$0x1F400] =	vst v63  }
0x172: {  	_ =	swait.ge [sflag:s6], $0xC800  }
0x173: {  	[sflag:s6] =	ssyncset.done $0x0  }
0x174: {  	[sflag:s6] =	ssyncadd.s32 $0xFFFF3800  }
0x175: {  	[tilespmem:s9], [sflag:$0x1] =	stream.indirect.gather [hbm4b:s2+s12], $0x20, s20, s12, $0xb8;
	[tilespmem:$0x1F400] =	vst v63  }
0x176: {  	_ =	swait.ge [sflag:s14], $0xC800  }
0x177: {  	[sflag:s14] =	ssyncset.done $0x0  }
0x178: {  	s26 =	rddreg [dreg:$0xd];
	[sflag:s14] =	ssyncadd.s32 $0xFFFF3800  }
0x179: {  	[hbm4b:s26+s8] =	stream.strided.scatter [tilespmem:s5], [sflag:$0x4], $0xC800, s10, s8, $0x38;
	[tilespmem:$0x1F400] =	vst v63  }
0x17a: {  	_ =	swait.ge [sflag:s7], $0xC800  }
0x17b: {  	[sflag:s7] =	ssyncset.done $0x0  }
0x17c: {  	[sflag:s7] =	ssyncadd.s32 $0xFFFF3800  }
0x17d: {  	[tilespmem:s5], [sflag:$0x2] =	stream.indirect.gather [hbm4b:s2+s12], $0x20, s19, s12, $0xb8;
	[tilespmem:$0x1F400] =	vst v63  }
0x17e: {  	_ =	swait.ge [sflag:s13], $0xC800  }
0x17f: {  	[sflag:s13] =	ssyncset.done $0x0  }
0x180: {  	s28 =	rddreg [dreg:$0xe];
	[sflag:s13] =	ssyncadd.s32 $0xFFFF3800  }
0x181: {  	[hbm4b:s28+s8] =	stream.strided.scatter [tilespmem:s9], [sflag:$0x3], $0xC800, s10, s8, $0x38;
	[tilespmem:$0x1F400] =	vst v63  }
0x182: {  	_ =	swait.ge [sflag:s6], $0xC800  }
0x183: {  	[sflag:s6] =	ssyncset.done $0x0  }
0x184: {  	[sflag:s6] =	ssyncadd.s32 $0xFFFF3800  }
0x185: {  	[tilespmem:s9], [sflag:$0x1] =	stream.indirect.gather [hbm4b:s2+s12], $0x20, s18, s12, $0xb8;
	[tilespmem:$0x1F400] =	vst v63  }
0x186: {  	_ =	swait.ge [sflag:s14], $0xC800  }
0x187: {  	[sflag:s14] =	ssyncset.done $0x0  }
0x188: {  	s29 =	rddreg [dreg:$0xf];
	[sflag:s14] =	ssyncadd.s32 $0xFFFF3800  }
0x189: {  	[hbm4b:s29+s8] =	stream.strided.scatter [tilespmem:s5], [sflag:$0x4], $0xC800, s10, s8, $0x38;
	[tilespmem:$0x1F400] =	vst v63  }
0x18a: {  	_ =	swait.ge [sflag:s7], $0xC800  }
0x18b: {  	[sflag:s7] =	ssyncset.done $0x0  }
0x18c: {  	[sflag:s7] =	ssyncadd.s32 $0xFFFF3800  }
0x18d: {  	[tilespmem:s5], [sflag:$0x2] =	stream.indirect.gather [hbm4b:s2+s12], $0x20, s17, s12, $0xb8;
	[tilespmem:$0x1F400] =	vst v63  }
0x18e: {  	_ =	swait.ge [sflag:s13], $0xC800  }
0x18f: {  	[sflag:s13] =	ssyncset.done $0x0  }
0x190: {  	s30 =	rddreg [dreg:$0x10];
	[sflag:s13] =	ssyncadd.s32 $0xFFFF3800  }
0x191: {  	[hbm4b:s30+s8] =	stream.strided.scatter [tilespmem:s9], [sflag:$0x3], $0xC800, s10, s8, $0x38;
	[tilespmem:$0x1F400] =	vst v63  }
0x192: {  	_ =	swait.ge [sflag:s6], $0xC800  }
0x193: {  	[sflag:s6] =	ssyncset.done $0x0  }
0x194: {  	[sflag:s6] =	ssyncadd.s32 $0xFFFF3800  }
0x195: {  	[tilespmem:s9], [sflag:$0x1] =	stream.indirect.gather [hbm4b:s2+s12], $0x20, s16, s12, $0xb8;
	[tilespmem:$0x1F400] =	vst v63  }
0x196: {  	_ =	swait.ge [sflag:s14], $0xC800  }
0x197: {  	[sflag:s14] =	ssyncset.done $0x0  }
0x198: {  	[sflag:s14] =	ssyncadd.s32 $0xFFFF3800  }
0x199: {  	[hbm4b:s11+s8] =	stream.strided.scatter [tilespmem:s5], [sflag:$0x4], $0xC800, s10, s8, $0x38;
	[tilespmem:$0x1F400] =	vst v63  }
0x19a: {  	_ =	swait.ge [sflag:s7], $0xC800  }
0x19b: {  	[sflag:s7] =	ssyncset.done $0x0  }
0x19c: {  	[sflag:s7] =	ssyncadd.s32 $0xFFFF3800  }
0x19d: {  	[tilespmem:s5], [sflag:$0x2] =	stream.indirect.gather [hbm4b:s2+s12], $0x20, s15, s12, $0xb8;
	[tilespmem:$0x1F400] =	vst v63  }
0x19e: {  	_ =	swait.ge [sflag:s13], $0xC800  }
0x19f: {  	[sflag:s13] =	ssyncset.done $0x0  }
0x1a0: {  	[sflag:s13] =	ssyncadd.s32 $0xFFFF3800  }
0x1a1: {  	[hbm4b:s4+s8] =	stream.strided.scatter [tilespmem:s9], [sflag:$0x3], $0xC800, s10, s8, $0x38;
	[tilespmem:$0x1F400] =	vst v63  }
0x1a2: {  	_ =	swait.ge [sflag:s14], $0xC800  }
0x1a3: {  	[sflag:s14] =	ssyncset.done $0x0  }
0x1a4: {  	[sflag:s14] =	ssyncadd.s32 $0xFFFF3800  }
0x1a5: {  	[hbm4b:s3+s8] =	stream.strided.scatter [tilespmem:s5], [sflag:$0x4], $0xC800, s10, s8, $0x38;
	[tilespmem:$0x1F400] =	vst v63  }
0x1a6: {  	_ =	swait.ge [sflag:s6], $0xC800  }
0x1a7: {  	[sflag:s6] =	ssyncset.done $0x0  }
0x1a8: {  	[sflag:s6] =	ssyncadd.s32 $0xFFFF3800  }
0x1a9: {  	_ =	swait.ge [sflag:s7], $0xC800  }
0x1aa: {  	[sflag:s7] =	ssyncset.done $0x0  }
0x1ab: {  	[sflag:s7] =	ssyncadd.s32 $0xFFFF3800  }
0x1ac: {  	_ =	sfence.sel $0x180000  }
0x1ad: {  	[bflag:$0x0] =	sbarrier.arrive $0xFFFF  }
0x1ae: {  	_ =	strace $0x90000047  }
0x1af: {  	s31 =	stileid.u32;
	[bflag:$0x2] =	sbarrier.arrive $0xFFFF  }
0x1b0: {  	p0 =	sne.s32 s31, $0x0;
	s0 =	rddreg [dreg:$0x2]  }
0x1b1: {  	s0 =	sadd.s32 @!p0 $0x100000, s0  }
0x1b2: {  	[sflag:s0] =	ssyncadd.tile.s32 @!p0 $0x1;
	_ =	shalt  }
.Lfunc_end2:
_tile_overlayer_lowered:
.L_overlay_start_2:
0x1b3: {  	(tag) =	ssettag $0x2  }
0x1b4: {  	s0 =	rddreg [dreg:$0x0];
	s2 =	stileid.u32  }
0x1b5: {  	s1 =	rddreg [dreg:$0x1];
	p0 =	sne.s32 s2, $0x0  }
0x1b6: {  	s3 =	rddreg [dreg:$0x2];
	[bflag:$0x3] =	sbarrier.arrive $0xFFFF;
	s2 =	simm.s32 @!p0 $0x1C05  }
0x1b7: {  	[timem:s3], [sflag:s2] =	dma.local @!p0 [hbm:s0], s1  }
0x1b8: {  	s0 =	simm.s32 @!p0 $0x5  }
0x1b9: {  	_ =	swait.ge @!p0 [sflag:s0], s1  }
0x1ba: {  	s1 =	ssub.s32 @!p0 $0x0, s1;
	[sflag:s0] =	ssyncset.done @!p0 $0x0  }
0x1bb: {  	[sflag:s0] =	ssyncadd.s32 @!p0 s1  }
0x1bc: {  	[bflag:$0x3] =	sbarrier.arrive $0xFFFF  }
0x1bd: {  	_ =	shalt  }

// kernel: sparse-core-data-format-call.cloned.1.call-start
scs
called_computation_lowered:
.L_overlay_start_0:
0x0: {  	s2 =	sld [smem:$0x3FD9]  }
0x1: {  	s3 =	sld [smem:$0x3FFE];
	_ =	sdelay $0x1  }
0x2: {  	s1 =	srdreg.scid  }
0x3: {  	s0 =	sand.u32 $0x1, s1  }
0x4: {  	s18 =	sshll.u32 s0, $0xA;
	s2 =	sadd.s32 s3, s2  }
0x5: {  	s2 =	sadd.s32 s2, s18  }
0x6: {  	[smem:$0x3FC6] =	sst s2  }
0x7: {  	_ = 	snop  }
0x8: {  	s2 =	sld [smem:$0x3FD0];
	(tm) =	ssettm $0x1  }
0x9: {  	s19 =	sld [smem:$0x3FFB];
	_ =	sdelay $0x3  }
0xa: {  	_ =	strace s19  }
0xb: {  	s3 =	sld [smem:$0x3FFC];
	_ =	sdelay $0x3  }
0xc: {  	_ =	strace s3  }
0xd: {  	s3 =	sld [smem:$0x3FFD];
	_ =	sdelay $0x3  }
0xe: {  	_ =	strace s3  }
0xf: {  	_ =	strace $0x8FFFFFFF  }
0x10: {  	s20 =	sld [smem:$0x3FDB];
	_ =	sdelay $0x1  }
0x11: {  	s4 =	simm.s32 $_scs_section_size  }
0x12: {  	s5 =	simm.s32 $_size__tile_overlayer_lowered;
	s6 =	simm.s32 $_tile_overlayer_lowered  }
0x13: {  	s23 =	simm.s32 $0x1BFF;
	s22 =	sshll.u32 s6, $0x1;
	s3 =	sadd.s32 s4, s20  }
0x14: {  	s7 =	simm.s32 $0x0;
	s21 =	sshll.u32 s5, $0x1;
	s5 =	sadd.s32 s22, s3  }
0x15: {  	[timem:s7], [sflag:s23] =	dma.local [hbm:s5], s21  }
0x16: {  	_ =	swait.ge [sflag:s23], s21  }
0x17: {  	s4 =	ssub.s32 $0x0, s21;
	[sflag:s23] =	ssyncset.done $0x0  }
0x18: {  	[sflag:s23] =	ssyncadd.s32 s4;
	_ =	sdelay $0x1  }
0x19: {  	s24 =	simm.s32 $0x1B8B  }
0x1a: {  	_ =	swait.ge [sflag:s24], $0x1  }
0x1b: {  	[sflag:s24] =	ssyncset.done $0x0  }
0x1c: {  	s26 =	simm.s32 $0x1B8E;
	s25 =	sld [smem:$0x3FFE];
	[sflag:s24] =	ssyncadd.s32 $0xFFFFFFFF  }
0x1d: {  	s27 =	simm.s32 $execute0_lowered;
	[smem:$0x3FD2] =	sst s26  }
0x1e: {  	s5 =	sshll.u32 s27, $0x1;
	_ =	strace $0x80000049;
	[dreg:$0x1] =	wrdreg $0xFFFFFFFF  }
0x1f: {  	s28 =	simm.s32 $_size_execute0_lowered;
	s3 =	sadd.s32 s3, s5;
	[dreg:$0x0] =	wrdreg $0x0  }
0x20: {  	s5 =	sshll.u32 s28, $0x1;
	[dreg:$0x2] =	wrdreg s3  }
0x21: {  	[dreg:$0x3] =	wrdreg s5  }
0x22: {  	[dreg:$0x4] =	wrdreg $0xC0  }
0x23: {  	_ =	task [dreg:s7], $0x5FFFF  }
0x24: {  	[dreg:$0x1] =	wrdreg $0xFFFFFFFF  }
0x25: {  	[dreg:$0x0] =	wrdreg $0x60  }
0x26: {  	[dreg:$0x2] =	wrdreg s25  }
0x27: {  	[dreg:$0x3] =	wrdreg s2  }
0x28: {  	[dreg:$0x4] =	wrdreg $0x9  }
0x29: {  	_ =	task.clear_ibuf [dreg:s7], $0x5FFFF;
	_ =	strace $0x90000049  }
0x2a: {  	s29 =	simm.s32 $0x9;
	_ =	strace $0x8000004B  }
0x2b: {  	_ =	swait.ge [sflag:s29], $0x1  }
0x2c: {  	[sflag:s29] =	ssyncadd.s32 $0xFFFFFFFF  }
0x2d: {  	_ =	strace $0x9000004B  }
0x2e: {  	_ =	sfence  }
0x2f: {  	s30 =	sld [smem:$0x0];
	_ =	sdelay $0x2  }
0x30: {  	s31 =	sshll.u32 s1, $0xD;
	s1 =	sshrl.u32 s1, $0x2  }
0x31: {  	s3 =	sand.u32 $0x4000, s31;
	s1 =	sadd.s32 s1, s30  }
0x32: {  	s0 =	sor.u32 s3, s0;
	s1 =	sshll.u32 s1, $0x11  }
0x33: {  	s0 =	sor.u32 s1, s0  }
0x34: {  	s0 =	sadd.s32 $0x8F2B, s0  }
0x35: {  	[sflag:s0] =	ssyncadd.remote.s32 $0x1  }
0x36: {  	_ =	sfence.sel $0xFFFF  }
0x37: {  	[dreg:$0x0] =	wrdreg $0xFFFFFFFF;
	(pc) =	sbr.abs _section_cstart, $3  }
0x38: {  	[dreg:$0x1] =	wrdreg $0xFFFFFFFF  }
0x39: {  	_ =	task.clear_ibuf [dreg:s7], $0x2FFFF;
	_ =	strace $0x9FFFFFFF  }
0x3a: {  	(tm) =	ssettm $0x7FFFFFFF  }
0x3b: {  	_ =	shalt  }
tec
execute0_lowered:
.L_overlay_start_1:
0x0: {  	(tag) =	ssettag $0x1  }
0x1: {  	s0 =	srdreg.scid  }
0x2: {  	s1 =	sshll.u32 s0, $0x4  }
0x3: {  	s0 =	stileid.u32;
	s1 =	sand.u32 $0x10, s1  }
0x4: {  	s1 =	sor.u32 s0, s1  }
0x5: {  	s6 =	rddreg [dreg:$0x0];
	s4 =	simm.s32 $0x1;
	s2 =	sshll.u32 s1, $0x7  }
0x6: {  	s7 =	simm.s32 $0x2;
	s12 =	simm.s32 $0x0;
	s1 =	ssub.s32 $0x1000, s2  }
0x7: {  	s8 =	simm.s32 $0x8000;
	s13 =	simm.s32 $0x0;
	s3 =	sand.u32 $0xF80, s1  }
0x8: {  	s9 =	simm.s32 $0x0;
	s5 =	sshrl.u32 s1, $0xC;
	p0 =	sne.s32 s3, $0x0  }
.Ltmp0:
0x9: {  	s1 =	rddreg [dreg:$0x2];
	s4 =	simm.s32 @!p0 $0x0;
	(pc) =	sbr.rel .LBB1_1-.Ltmp0, $4  }
0xa: {  	s11 =	simm.s32 $0x0;
	s3 =	rddreg [dreg:$0x1];
	s5 =	sadd.s32 s4, s5  }
0xb: {  	_ =	strace $0x8000004A;
	s4 =	simm.s32 $0x1;
	s5 =	smul.u32 $0xC8, s5  }
0xc: {  	s6 =	sadd.s32 $0xA00, s6;
	s10 =	smov.u32 s2;
	[sflag:s4] =	ssyncpa.u1 $0x0  }
0xd: {  	p0 =	por $0x0, $0x0;
	[sflag:s7] =	ssyncpa.u1 $0x0;
	s7 =	sor.u32 $0x1, s5  }
.LBB1_4:
0xe: {  	s16 =	sshll.u32 s13, $0x3;
	s17 =	sand.u32 $0x78, s13  }
0xf: {  	s30 =	sand.u32 $0x3E00, s13;
	s12 =	sshll.u32 s12, $0xE;
	s16 =	sand.u32 $0xC00, s16  }
0x10: {  	s31 =	sand.u32 $0x7, s13;
	s16 =	sor.u32 s17, s16;
	s17 =	sadd.s32 s3, s30  }
0x11: {  	s13 =	sshll.u32 s31, $0x12;
	s16 =	sshrl.u32 s16, $0x3;
	s12 =	sadd.s32 s12, s17  }
0x12: {  	[tilespmem:s15+$0x0 ss:$0x81] =	vst.msk $0xffff, v0;
	s13 =	sor.u32 $0x400, s13;
	s12 =	sadd.s32 s16, s12  }
0x13: {  	[hbm4b:s12+s13] =	stream.strided.scatter [tilespmem:s14], [sflag:$0x2], $0x1000, s8, s13, $0x20;
	[tilespmem:$0x4040] =	vst v63  }
.LBB1_5:
0x14: {  	s14 =	sadd.s32 $0x1, s9  }
0x15: {  	s12 =	sadd.s32 $0x1000, s10;
	s16 =	smov.u32 s10;
	p2 =	sgt.s32 s14, $0xC7  }
0x16: {  	s16 =	smov.u32 @p2 s12  }
0x17: {  	s14 =	simm.s32 @p2 $0x0;
	p2 =	sgt.s32 s16, $0xFFF  }
0x18: {  	s16 =	smov.u32 @p2 s2;
	p2 =	sne.s32 s11, s7  }
.Ltmp1:
0x19: {  	p1 =	slt.u32 s11, $0x2;
	(pc) =	sbr.rel @!p2 .LBB1_6-.Ltmp1, $4  }
0x1a: {  	s15 =	simm.s32 @!p1 $0x2  }
0x1b: {  	s13 =	smov.u32 s10;
	p0 =	por !p0, !p0;
	_ =	swait.ge @!p1 [sflag:s15], $0x1000  }
0x1c: {  	s12 =	smov.u32 s9;
	[sflag:s15] =	ssyncset.done @!p1 $0x0;
	s9 =	smov.u32 s14  }
0x1d: {  	s11 =	sadd.s32 $0x1, s11;
	[sflag:s15] =	ssyncadd.s32 @!p1 $0xFFFFF000;
	s10 =	smov.u32 s16  }
.LBB1_1:
0x1e: {  	p1 =	sge.u32 s11, s5  }
0x1f: {  	s14 =	sand.u32 @!p1 $0x1FFFFFF, s9  }
0x20: {  	s15 =	smulhi.u32 @!p1 $0x147AE15, s14;
	_ =	sdelay $0x1  }
0x21: {  	s15 =	smul.u32 @!p1 $0xC8, s15  }
0x22: {  	s16 =	sxor.u32 @!p1 $0xFFFFFFFF, s11;
	s17 =	smul.u32 @!p1 $0xC80, s10  }
0x23: {  	s31 =	sadd.s32 $0xFFFFFFFF, s11;
	s16 =	sshll.u32 @!p1 s16, $0xC;
	s14 =	ssub.s32 @!p1 s14, s15  }
0x24: {  	s15 =	sand.u32 @!p1 $0x1000, s16;
	s16 =	sadd.s32 @!p1 s6, s17;
	s14 =	sshll.u32 @!p1 s14, $0x4  }
0x25: {  	s17 =	simm.s32 @!p1 $0x6400;
	s14 =	sadd.s32 @!p1 s14, s16;
	s16 =	simm.s32 @!p1 $0x20  }
0x26: {  	[tilespmem:s15], [sflag:$0x1] =	stream.strided.gather @!p1 [hbm4b:s14+s16], $0x1000, s17, s16, $0x38;
	[tilespmem:$0x4040] =	vst v63  }
0x27: {  	p1 =	sge.u32 s31, s5  }
.Ltmp2:
0x28: {  	_ = 	snop;
	(pc) =	sbr.rel @p1 .LBB1_5-.Ltmp2, $1  }
0x29: {  	_ =	sdelay $0x3  }
0x2a: {  	s14 =	simm.s32 $0x1  }
0x2b: {  	_ =	swait.ge [sflag:s4], $0x1000;
	s14 =	simm.s32 @!p0 $0x0  }
0x2c: {  	[sflag:s4] =	ssyncset.done $0x0;
	s15 =	sshll.u32 s14, $0xC  }
0x2d: {  	[sflag:s4] =	ssyncadd.s32 $0xFFFFF000;
	s18 =	sor.u32 $0x10, s15  }
0x2e: {  	s14 =	smul.u32 $0x4080, s14;
	v1 =	vld [tilespmem:s18+$0x0]  }
0x2f: {  	s30 =	sand.u32 $0x1, s11;
	v0 =	vld [tilespmem:s18+$0xFFFFFFF0]  }
0x30: {  	s15 =	smul.u32 $0x4080, s30;
	s14 =	sshrl.u32 s14, $0x2  }
0x31: {  	s16 =	sor.u32 $0x2000, s14  }
0x32: {  	s31 =	sshrl.u32 s15, $0x2;
	s15 =	sadd.s32 $0x0, s16  }
0x33: {  	s17 =	simm.s32 $0x4;
	s18 =	sadd.s32 $0x20, s18;
	s14 =	sor.u32 $0x2000, s31;
	[tilespmem:s15+$0x810 ss:$0x81] =	vst.msk $0xffff, v1  }
.LBB1_3:
0x34: {  	v1 =	vld [tilespmem:s18+$0x0];
	p1 =	sne.s32 s17, $0x1FC;
	[tilespmem:s15+$0x0 ss:$0x81] =	vst.msk $0xffff, v0;
	s15 =	smov.u32 s17;
	s17 =	sadd.s32 $0x4, s17  }
.Ltmp3:
0x35: {  	v0 =	vld [tilespmem:s18+$0xFFFFFFF0];
	(pc) =	sbr.rel @p1 .LBB1_3-.Ltmp3, $4  }
0x36: {  	_ = 	snop  }
0x37: {  	s15 =	sshra.s32 s15, $0x2  }
0x38: {  	s15 =	sadd.s32 s15, s16  }
0x39: {  	s18 =	sadd.s32 $0x20, s18;
	[tilespmem:s15+$0x810 ss:$0x81] =	vst.msk $0xffff, v1  }
.Ltmp4:
0x3a: {  	_ = 	snop;
	(pc) =	sbr.rel .LBB1_4-.Ltmp4, $1  }
0x3b: {  	_ =	sdelay $0x3  }
.LBB1_6:
0x3c: {  	_ =	sfence.sel $0x180000  }
0x3d: {  	s2 =	simm.s32 $0x1;
	[bflag:$0x0] =	sbarrier.arrive $0xFFFF  }
0x3e: {  	s31 =	simm.s32 $0x2;
	[sflag:s2] =	ssyncpa.u1 $0x1  }
0x3f: {  	[sflag:s31] =	ssyncpa.u1 $0x1  }
0x40: {  	p0 =	sne.s32 s0, $0x0;
	_ =	strace $0x9000004A  }
0x41: {  	s0 =	sadd.s32 @!p0 $0x100000, s1;
	[bflag:$0x2] =	sbarrier.arrive $0xFFFF  }
0x42: {  	[sflag:s0] =	ssyncadd.tile.s32 @!p0 $0x1;
	_ =	shalt  }
.Lfunc_end1:
_tile_overlayer_lowered:
.L_overlay_start_2:
0x43: {  	(tag) =	ssettag $0x2  }
0x44: {  	s0 =	rddreg [dreg:$0x0];
	s2 =	stileid.u32  }
0x45: {  	s1 =	rddreg [dreg:$0x1];
	p0 =	sne.s32 s2, $0x0  }
0x46: {  	s3 =	rddreg [dreg:$0x2];
	[bflag:$0x3] =	sbarrier.arrive $0xFFFF;
	s2 =	simm.s32 @!p0 $0x1C01  }
0x47: {  	[timem:s3], [sflag:s2] =	dma.local @!p0 [hbm:s0], s1  }
0x48: {  	s0 =	simm.s32 @!p0 $0x1  }
0x49: {  	_ =	swait.ge @!p0 [sflag:s0], s1  }
0x4a: {  	s1 =	ssub.s32 @!p0 $0x0, s1;
	[sflag:s0] =	ssyncset.done @!p0 $0x0  }
0x4b: {  	[sflag:s0] =	ssyncadd.s32 @!p0 s1  }
0x4c: {  	[bflag:$0x3] =	sbarrier.arrive $0xFFFF  }
0x4d: {  	_ =	shalt  }

</sc_bundles>
